<compile_context>
chip_gen: v7x
topology: tpu7x:2x2x1
jax: 0.10.2.dev20260603
libtpu: 0.0.44.dev20260713+nightly
codegen_flags: <defaults>
</compile_context>

<pallas_src>
import functools

import jax
import jax.numpy as jnp
from jax import lax
from jax.experimental import pallas as pl
from jax.experimental.pallas import tpu as pltpu
from jax.experimental.pallas import tpu_sc as plsc

HIDDEN = 2048
LANES = 16
NVEC = HIDDEN // LANES
ROWS = 16384
CHUNK = 8
NBUF = 2


def _sc_body(x_hbm, perm_hbm, signs_hbm, mix_hbm, out_hbm,
             perm_v, signs_v, mix_v,
             in_v0, in_v1, out_v0, out_v1,
             in_sem0, in_sem1, out_sem0, out_sem1):
    in_v = (in_v0, in_v1)
    out_v = (out_v0, out_v1)
    in_sem = (in_sem0, in_sem1)
    out_sem = (out_sem0, out_sem1)
    nc = 2
    wid = lax.axis_index("s") * nc + lax.axis_index("c")
    nworkers = 32
    rows_per_w = ROWS // nworkers
    base_row = wid * rows_per_w

    pltpu.sync_copy(perm_hbm, perm_v)
    pltpu.sync_copy(signs_hbm, signs_v)
    pltpu.sync_copy(mix_hbm, mix_v)

    mv = mix_v[...]
    av = 1.0 - mv

    def _premul(j, _):
        sl = pl.ds(j * LANES, LANES)
        signs_v[sl] = signs_v[sl] * mv
        return _

    lax.fori_loop(0, NVEC, _premul, None)

    nchunks = rows_per_w // CHUNK
    celems = CHUNK * HIDDEN

    def _in_copy(chunk_idx, b):
        elem0 = (base_row * HIDDEN) + chunk_idx * celems
        return pltpu.make_async_copy(
            x_hbm.at[pl.ds(elem0, celems)], in_v[b], in_sem[b])

    def _out_copy(chunk_idx, b):
        elem0 = (base_row * HIDDEN) + chunk_idx * celems
        return pltpu.make_async_copy(
            out_v[b], out_hbm.at[pl.ds(elem0, celems)], out_sem[b])

    _in_copy(0, 0).start()
    _in_copy(1, 1).start()

    def _pair(p, _):
        for b in range(NBUF):
            g = p * NBUF + b
            _in_copy(g, b).wait()

            @pl.when(p > 0)
            def _():
                _out_copy(g - NBUF, b).wait()

            def _col(j, _):
                sl = pl.ds(j * LANES, LANES)
                idxv = perm_v[sl]
                msv = signs_v[sl]
                for r in range(CHUNK):
                    gat = plsc.load_gather(in_v[b], [idxv + (r * HIDDEN)])
                    xv = in_v[b][pl.ds(r * HIDDEN + j * LANES, LANES)]
                    out_v[b][pl.ds(r * HIDDEN + j * LANES, LANES)] = (
                        av * xv + msv * gat)
                return _

            lax.fori_loop(0, NVEC, _col, None)
            _out_copy(g, b).start()

            @pl.when(g + NBUF < nchunks)
            def _():
                _in_copy(g + NBUF, b).start()
        return _

    lax.fori_loop(0, nchunks // NBUF, _pair, None)
    for b in range(NBUF):
        _out_copy(nchunks - NBUF + b, b).wait()


@functools.partial(jax.jit, static_argnames=())
def kernel(x, perm, signs, mix):
    orig_shape = x.shape
    x1d = x.reshape(ROWS * HIDDEN)
    perm32 = perm.astype(jnp.int32)
    mix_vec = jnp.broadcast_to(mix.astype(jnp.float32), (LANES,))

    mesh = plsc.VectorSubcoreMesh(core_axis_name="c", subcore_axis_name="s")
    out1d = pl.kernel(
        _sc_body,
        out_type=jax.ShapeDtypeStruct((ROWS * HIDDEN,), jnp.float32),
        mesh=mesh,
        scratch_types=[
            pltpu.VMEM((HIDDEN,), jnp.int32),
            pltpu.VMEM((HIDDEN,), jnp.float32),
            pltpu.VMEM((LANES,), jnp.float32),
            pltpu.VMEM((CHUNK * HIDDEN,), jnp.float32),
            pltpu.VMEM((CHUNK * HIDDEN,), jnp.float32),
            pltpu.VMEM((CHUNK * HIDDEN,), jnp.float32),
            pltpu.VMEM((CHUNK * HIDDEN,), jnp.float32),
            pltpu.SemaphoreType.DMA,
            pltpu.SemaphoreType.DMA,
            pltpu.SemaphoreType.DMA,
            pltpu.SemaphoreType.DMA,
        ],
        compiler_params=pltpu.CompilerParams(needs_layout_passes=False),
    )(x1d, perm32, signs.astype(jnp.float32), mix_vec)
    return out1d.reshape(orig_shape)

# --- scband reference (transcript-rebuilt; emitter-appended) ---
"""Pipeline reference for scband-zero-param-transform-80994493268377 (READ-ONLY COPY).

The authoritative reference and input builder live on the scoring server;
editing this copy changes nothing except your own understanding.
"""

import jax, jax.numpy as jnp
import numpy as np

HIDDEN_DIM = 2048

def setup_inputs(seed: int = 0) -> dict:
    key = jax.random.key(seed)
    k1, k2, k3 = jax.random.split(key, 3)
    x = jax.random.normal(k1, (4, 4096, HIDDEN_DIM), dtype=jnp.float32)
    # buffers / params mirroring the torch module's state
    perm = jax.random.permutation(k2, HIDDEN_DIM)  # int32 permutation of [0, hidden_dim)
    signs = (jax.random.randint(k3, (HIDDEN_DIM,), 0, 2) * 2 - 1).astype(jnp.float32)
    mix = jnp.asarray(0.1, dtype=jnp.float32)  # scalar learnable parameter
    return {"x": x, "perm": perm, "signs": signs, "mix": mix}


def reference(x, perm, signs, mix):
    # x_perm = x[..., perm]
    x_perm = jnp.take(x, perm, axis=-1)
    # x_flip = x_perm * signs
    x_flip = x_perm * signs
    # return x + mix * (x_flip - x)
    return x + mix * (x_flip - x)

if __name__ == "__main__":
    import jax
    _d = setup_inputs()
    print(jax.jit(kernel)(*tuple(_d.values())))

</pallas_src>

<mosaic_0001>
#map = affine_map<(d0, d1) -> (0)>
module attributes {stable_mosaic.version = 14 : i64} {
  func.func @_sc_body(%arg0: i32, %arg1: i32, %arg2: memref<33554432xf32, #tpu.memory_space<hbm>>, %arg3: memref<2048xi32, #tpu.memory_space<hbm>>, %arg4: memref<2048xf32, #tpu.memory_space<hbm>>, %arg5: memref<16xf32, #tpu.memory_space<hbm>>, %arg6: memref<33554432xf32, #tpu.memory_space<hbm>>, %arg7: memref<2048xi32, #tpu.memory_space<vmem>>, %arg8: memref<2048xf32, #tpu.memory_space<vmem>>, %arg9: memref<16xf32, #tpu.memory_space<vmem>>, %arg10: memref<16384xf32, #tpu.memory_space<vmem>>, %arg11: memref<16384xf32, #tpu.memory_space<vmem>>, %arg12: memref<16384xf32, #tpu.memory_space<vmem>>, %arg13: memref<16384xf32, #tpu.memory_space<vmem>>, %arg14: memref<!tpu.dma_semaphore, #tpu.memory_space<semaphore_mem>>, %arg15: memref<!tpu.dma_semaphore, #tpu.memory_space<semaphore_mem>>, %arg16: memref<!tpu.dma_semaphore, #tpu.memory_space<semaphore_mem>>, %arg17: memref<!tpu.dma_semaphore, #tpu.memory_space<semaphore_mem>>) attributes {dimension_semantics = [#tpu.dimension_semantics<core_parallel>, #tpu.dimension_semantics<subcore_parallel>], iteration_bounds = array<i64: 2, 16>, scalar_prefetch = 0 : i64, scratch_operands = 11 : i64, tpu.core_type = #tpu.core_type<sc_vector_subcore>, window_params = [{transform_indices = #map}, {transform_indices = #map}, {transform_indices = #map}, {transform_indices = #map}, {transform_indices = #map}]} {
    %mul3A = arith.constant 2 : i32
    %mul3A_0 = arith.muli %arg1, %mul3A : i32
    %add3A = arith.addi %mul3A_0, %arg0 : i32
    %mul3A_1 = arith.constant 512 : i32
    %mul3A_2 = arith.muli %add3A, %mul3A_1 : i32
    "tpu.region"() ({
      %run_scoped3A = tpu.sem_alloc : memref<!tpu.dma_semaphore, #tpu.memory_space<semaphore_mem>>
      tpu.enqueue_dma source(%arg3 : memref<2048xi32, #tpu.memory_space<hbm>>) target(%arg7 : memref<2048xi32, #tpu.memory_space<vmem>>) target_semaphore(%run_scoped3A : memref<!tpu.dma_semaphore, #tpu.memory_space<semaphore_mem>>)
      tpu.wait_dma2 semaphore(%run_scoped3A : memref<!tpu.dma_semaphore, #tpu.memory_space<semaphore_mem>>) src(%arg3 : memref<2048xi32, #tpu.memory_space<hbm>>) dst(%arg7 : memref<2048xi32, #tpu.memory_space<vmem>>)
      tpu.yield
    }) : () -> ()
    "tpu.region"() ({
      %run_scoped3A = tpu.sem_alloc : memref<!tpu.dma_semaphore, #tpu.memory_space<semaphore_mem>>
      tpu.enqueue_dma source(%arg4 : memref<2048xf32, #tpu.memory_space<hbm>>) target(%arg8 : memref<2048xf32, #tpu.memory_space<vmem>>) target_semaphore(%run_scoped3A : memref<!tpu.dma_semaphore, #tpu.memory_space<semaphore_mem>>)
      tpu.wait_dma2 semaphore(%run_scoped3A : memref<!tpu.dma_semaphore, #tpu.memory_space<semaphore_mem>>) src(%arg4 : memref<2048xf32, #tpu.memory_space<hbm>>) dst(%arg8 : memref<2048xf32, #tpu.memory_space<vmem>>)
      tpu.yield
    }) : () -> ()
    "tpu.region"() ({
      %run_scoped3A = tpu.sem_alloc : memref<!tpu.dma_semaphore, #tpu.memory_space<semaphore_mem>>
      tpu.enqueue_dma source(%arg5 : memref<16xf32, #tpu.memory_space<hbm>>) target(%arg9 : memref<16xf32, #tpu.memory_space<vmem>>) target_semaphore(%run_scoped3A : memref<!tpu.dma_semaphore, #tpu.memory_space<semaphore_mem>>)
      tpu.wait_dma2 semaphore(%run_scoped3A : memref<!tpu.dma_semaphore, #tpu.memory_space<semaphore_mem>>) src(%arg5 : memref<16xf32, #tpu.memory_space<hbm>>) dst(%arg9 : memref<16xf32, #tpu.memory_space<vmem>>)
      tpu.yield
    }) : () -> ()
    %get3A = arith.constant 0 : index
    %get3A_3 = tpu.vector_load %arg9[%get3A] {strides = array<i32>} : memref<16xf32, #tpu.memory_space<vmem>>, vector<16xf32>,
    %sub3A = arith.constant 1.000000e+00 : f32
    %sub3A_4 = vector.broadcast %sub3A : f32 to vector<16xf32>
    %sub3A_5 = arith.subf %sub3A_4, %get3A_3 : vector<16xf32>
    %scan3A = arith.constant 0 : i32
    %scan3A_6 = arith.constant 128 : i32
    %scan3A_7 = arith.addi %scan3A, %scan3A_6 : i32
    %scan3A_8 = arith.constant 1 : i32
    scf.for %scan3A_37 = %scan3A to %scan3A_7 step %scan3A_8  : i32 {
      %mul3A_38 = arith.constant 16 : i32
      %mul3A_39 = arith.muli %scan3A_37, %mul3A_38 : i32
      %get3A_40 = arith.index_cast %mul3A_39 : i32 to index
      %get3A_41 = tpu.vector_load %arg8[%get3A_40] {strides = array<i32>} : memref<2048xf32, #tpu.memory_space<vmem>>, vector<16xf32>,
      %mul3A_42 = arith.mulf %get3A_41, %get3A_3 : vector<16xf32>
      %swap3A = arith.index_cast %mul3A_39 : i32 to index
      %swap3A_43 = tpu.vector_load %arg8[%swap3A] {strides = array<i32>} : memref<2048xf32, #tpu.memory_space<vmem>>, vector<16xf32>,
      tpu.vector_store %arg8[%swap3A], %mul3A_42 {strides = array<i32>} : memref<2048xf32, #tpu.memory_space<vmem>>, vector<16xf32>,
    }
    %scan3A_9 = arith.constant 128 : i32
    %mul3A_10 = arith.constant 2048 : i32
    %mul3A_11 = arith.muli %mul3A_2, %mul3A_10 : i32
    %add3A_12 = arith.constant 0 : i32
    %add3A_13 = arith.addi %mul3A_11, %add3A_12 : i32
    %dma_start3A = tpu.memref_slice %arg2[%add3A_13] : memref<33554432xf32, #tpu.memory_space<hbm>> -> memref<16384xf32, #tpu.memory_space<hbm>>
    %dma_start3A_14 = tpu.memref_slice %arg2[%add3A_13] : memref<33554432xf32, #tpu.memory_space<hbm>> -> memref<16384xf32, #tpu.memory_space<hbm>>
    tpu.enqueue_dma source(%dma_start3A_14 : memref<16384xf32, #tpu.memory_space<hbm>>) target(%arg10 : memref<16384xf32, #tpu.memory_space<vmem>>) target_semaphore(%arg14 : memref<!tpu.dma_semaphore, #tpu.memory_space<semaphore_mem>>)
    %mul3A_15 = arith.constant 2048 : i32
    %mul3A_16 = arith.muli %mul3A_2, %mul3A_15 : i32
    %add3A_17 = arith.constant 16384 : i32
    %add3A_18 = arith.addi %mul3A_16, %add3A_17 : i32
    %dma_start3A_19 = tpu.memref_slice %arg2[%add3A_18] : memref<33554432xf32, #tpu.memory_space<hbm>> -> memref<16384xf32, #tpu.memory_space<hbm>>
    %dma_start3A_20 = tpu.memref_slice %arg2[%add3A_18] : memref<33554432xf32, #tpu.memory_space<hbm>> -> memref<16384xf32, #tpu.memory_space<hbm>>
    tpu.enqueue_dma source(%dma_start3A_20 : memref<16384xf32, #tpu.memory_space<hbm>>) target(%arg11 : memref<16384xf32, #tpu.memory_space<vmem>>) target_semaphore(%arg15 : memref<!tpu.dma_semaphore, #tpu.memory_space<semaphore_mem>>)
    %scan3A_21 = arith.constant 0 : i32
    %scan3A_22 = arith.constant 32 : i32
    %scan3A_23 = arith.addi %scan3A_21, %scan3A_22 : i32
    %scan3A_24 = arith.constant 1 : i32
    scf.for %scan3A_37 = %scan3A_21 to %scan3A_23 step %scan3A_24  : i32 {
      %mul3A_38 = arith.constant 2 : i32
      %mul3A_39 = arith.muli %scan3A_37, %mul3A_38 : i32
      %add3A_40 = arith.constant 0 : i32
      %add3A_41 = arith.addi %mul3A_39, %add3A_40 : i32
      %mul3A_42 = arith.constant 2048 : i32
      %mul3A_43 = arith.muli %mul3A_2, %mul3A_42 : i32
      %mul3A_44 = arith.constant 16384 : i32
      %mul3A_45 = arith.muli %add3A_41, %mul3A_44 : i32
      %add3A_46 = arith.addi %mul3A_43, %mul3A_45 : i32
      %dma_wait3A_47 = tpu.memref_slice %arg2[%add3A_46] : memref<33554432xf32, #tpu.memory_space<hbm>> -> memref<16384xf32, #tpu.memory_space<hbm>>
      %dma_wait3A_48 = tpu.memref_slice %arg2[%add3A_46] : memref<33554432xf32, #tpu.memory_space<hbm>> -> memref<16384xf32, #tpu.memory_space<hbm>>
      tpu.wait_dma2 semaphore(%arg14 : memref<!tpu.dma_semaphore, #tpu.memory_space<semaphore_mem>>) src(%dma_wait3A_48 : memref<16384xf32, #tpu.memory_space<hbm>>) dst(%arg10 : memref<16384xf32, #tpu.memory_space<vmem>>)
      %gt3A = arith.constant 0 : i32
      %gt3A_49 = arith.cmpi sgt, %scan3A_37, %gt3A : i32
      %convert_element_type3A = arith.extui %gt3A_49 : i1 to i32
      %cond3A = arith.constant 0 : i32
      %cond3A_50 = arith.cmpi ne, %convert_element_type3A, %cond3A : i32
      scf.if %cond3A_50 {
        %sub3A_104 = arith.constant 2 : i32
        %sub3A_105 = arith.subi %add3A_41, %sub3A_104 : i32
        %mul3A_106 = arith.constant 2048 : i32
        %mul3A_107 = arith.muli %mul3A_2, %mul3A_106 : i32
        %mul3A_108 = arith.constant 16384 : i32
        %mul3A_109 = arith.muli %sub3A_105, %mul3A_108 : i32
        %add3A_110 = arith.addi %mul3A_107, %mul3A_109 : i32
        %dma_wait3A_111 = tpu.memref_slice %arg6[%add3A_110] : memref<33554432xf32, #tpu.memory_space<hbm>> -> memref<16384xf32, #tpu.memory_space<hbm>>
        %dma_wait3A_112 = tpu.memref_slice %arg6[%add3A_110] : memref<33554432xf32, #tpu.memory_space<hbm>> -> memref<16384xf32, #tpu.memory_space<hbm>>
        tpu.wait_dma2 semaphore(%arg16 : memref<!tpu.dma_semaphore, #tpu.memory_space<semaphore_mem>>) src(%arg12 : memref<16384xf32, #tpu.memory_space<vmem>>) dst(%dma_wait3A_112 : memref<16384xf32, #tpu.memory_space<hbm>>)
      } else {
      }
      %scan3A_51 = arith.constant 0 : i32
      %scan3A_52 = arith.constant 128 : i32
      %scan3A_53 = arith.addi %scan3A_51, %scan3A_52 : i32
      %scan3A_54 = arith.constant 1 : i32
      scf.for %scan3A_104 = %scan3A_51 to %scan3A_53 step %scan3A_54  : i32 {
        %mul3A_105 = arith.constant 16 : i32
        %mul3A_106 = arith.muli %scan3A_104, %mul3A_105 : i32
        %get3A_107 = arith.index_cast %mul3A_106 : i32 to index
        %get3A_108 = tpu.vector_load %arg7[%get3A_107] {strides = array<i32>} : memref<2048xi32, #tpu.memory_space<vmem>>, vector<16xi32>,
        %get3A_109 = arith.index_cast %mul3A_106 : i32 to index
        %get3A_110 = tpu.vector_load %arg8[%get3A_109] {strides = array<i32>} : memref<2048xf32, #tpu.memory_space<vmem>>, vector<16xf32>,
        %add3A_111 = arith.constant 0 : i32
        %add3A_112 = vector.broadcast %add3A_111 : i32 to vector<16xi32>
        %add3A_113 = arith.addi %get3A_108, %add3A_112 : vector<16xi32>
        %gather3A = tpu.vector_load_idx %arg10[%add3A_113] : memref<16384xf32, #tpu.memory_space<vmem>>[vector<16xi32>], vector<16xf32>,
        %mul3A_114 = arith.constant 16 : i32
        %mul3A_115 = arith.muli %scan3A_104, %mul3A_114 : i32
        %add3A_116 = arith.constant 0 : i32
        %add3A_117 = arith.addi %add3A_116, %mul3A_115 : i32
        %get3A_118 = arith.index_cast %add3A_117 : i32 to index
        %get3A_119 = tpu.vector_load %arg10[%get3A_118] {strides = array<i32>} : memref<16384xf32, #tpu.memory_space<vmem>>, vector<16xf32>,
        %mul3A_120 = arith.mulf %sub3A_5, %get3A_119 : vector<16xf32>
        %mul3A_121 = arith.mulf %get3A_110, %gather3A : vector<16xf32>
        %add3A_122 = arith.addf %mul3A_120, %mul3A_121 : vector<16xf32>
        %mul3A_123 = arith.constant 16 : i32
        %mul3A_124 = arith.muli %scan3A_104, %mul3A_123 : i32
        %add3A_125 = arith.constant 0 : i32
        %add3A_126 = arith.addi %add3A_125, %mul3A_124 : i32
        %swap3A = arith.index_cast %add3A_126 : i32 to index
        %swap3A_127 = tpu.vector_load %arg12[%swap3A] {strides = array<i32>} : memref<16384xf32, #tpu.memory_space<vmem>>, vector<16xf32>,
        tpu.vector_store %arg12[%swap3A], %add3A_122 {strides = array<i32>} : memref<16384xf32, #tpu.memory_space<vmem>>, vector<16xf32>,
        %add3A_128 = arith.constant 2048 : i32
        %add3A_129 = vector.broadcast %add3A_128 : i32 to vector<16xi32>
        %add3A_130 = arith.addi %get3A_108, %add3A_129 : vector<16xi32>
        %gather3A_131 = tpu.vector_load_idx %arg10[%add3A_130] : memref<16384xf32, #tpu.memory_space<vmem>>[vector<16xi32>], vector<16xf32>,
        %mul3A_132 = arith.constant 16 : i32
        %mul3A_133 = arith.muli %scan3A_104, %mul3A_132 : i32
        %add3A_134 = arith.constant 2048 : i32
        %add3A_135 = arith.addi %add3A_134, %mul3A_133 : i32
        %get3A_136 = arith.index_cast %add3A_135 : i32 to index
        %get3A_137 = tpu.vector_load %arg10[%get3A_136] {strides = array<i32>} : memref<16384xf32, #tpu.memory_space<vmem>>, vector<16xf32>,
        %mul3A_138 = arith.mulf %sub3A_5, %get3A_137 : vector<16xf32>
        %mul3A_139 = arith.mulf %get3A_110, %gather3A_131 : vector<16xf32>
        %add3A_140 = arith.addf %mul3A_138, %mul3A_139 : vector<16xf32>
        %mul3A_141 = arith.constant 16 : i32
        %mul3A_142 = arith.muli %scan3A_104, %mul3A_141 : i32
        %add3A_143 = arith.constant 2048 : i32
        %add3A_144 = arith.addi %add3A_143, %mul3A_142 : i32
        %swap3A_145 = arith.index_cast %add3A_144 : i32 to index
        %swap3A_146 = tpu.vector_load %arg12[%swap3A_145] {strides = array<i32>} : memref<16384xf32, #tpu.memory_space<vmem>>, vector<16xf32>,
        tpu.vector_store %arg12[%swap3A_145], %add3A_140 {strides = array<i32>} : memref<16384xf32, #tpu.memory_space<vmem>>, vector<16xf32>,
        %add3A_147 = arith.constant 4096 : i32
        %add3A_148 = vector.broadcast %add3A_147 : i32 to vector<16xi32>
        %add3A_149 = arith.addi %get3A_108, %add3A_148 : vector<16xi32>
        %gather3A_150 = tpu.vector_load_idx %arg10[%add3A_149] : memref<16384xf32, #tpu.memory_space<vmem>>[vector<16xi32>], vector<16xf32>,
        %mul3A_151 = arith.constant 16 : i32
        %mul3A_152 = arith.muli %scan3A_104, %mul3A_151 : i32
        %add3A_153 = arith.constant 4096 : i32
        %add3A_154 = arith.addi %add3A_153, %mul3A_152 : i32
        %get3A_155 = arith.index_cast %add3A_154 : i32 to index
        %get3A_156 = tpu.vector_load %arg10[%get3A_155] {strides = array<i32>} : memref<16384xf32, #tpu.memory_space<vmem>>, vector<16xf32>,
        %mul3A_157 = arith.mulf %sub3A_5, %get3A_156 : vector<16xf32>
        %mul3A_158 = arith.mulf %get3A_110, %gather3A_150 : vector<16xf32>
        %add3A_159 = arith.addf %mul3A_157, %mul3A_158 : vector<16xf32>
        %mul3A_160 = arith.constant 16 : i32
        %mul3A_161 = arith.muli %scan3A_104, %mul3A_160 : i32
        %add3A_162 = arith.constant 4096 : i32
        %add3A_163 = arith.addi %add3A_162, %mul3A_161 : i32
        %swap3A_164 = arith.index_cast %add3A_163 : i32 to index
        %swap3A_165 = tpu.vector_load %arg12[%swap3A_164] {strides = array<i32>} : memref<16384xf32, #tpu.memory_space<vmem>>, vector<16xf32>,
        tpu.vector_store %arg12[%swap3A_164], %add3A_159 {strides = array<i32>} : memref<16384xf32, #tpu.memory_space<vmem>>, vector<16xf32>,
        %add3A_166 = arith.constant 6144 : i32
        %add3A_167 = vector.broadcast %add3A_166 : i32 to vector<16xi32>
        %add3A_168 = arith.addi %get3A_108, %add3A_167 : vector<16xi32>
        %gather3A_169 = tpu.vector_load_idx %arg10[%add3A_168] : memref<16384xf32, #tpu.memory_space<vmem>>[vector<16xi32>], vector<16xf32>,
        %mul3A_170 = arith.constant 16 : i32
        %mul3A_171 = arith.muli %scan3A_104, %mul3A_170 : i32
        %add3A_172 = arith.constant 6144 : i32
        %add3A_173 = arith.addi %add3A_172, %mul3A_171 : i32
        %get3A_174 = arith.index_cast %add3A_173 : i32 to index
        %get3A_175 = tpu.vector_load %arg10[%get3A_174] {strides = array<i32>} : memref<16384xf32, #tpu.memory_space<vmem>>, vector<16xf32>,
        %mul3A_176 = arith.mulf %sub3A_5, %get3A_175 : vector<16xf32>
        %mul3A_177 = arith.mulf %get3A_110, %gather3A_169 : vector<16xf32>
        %add3A_178 = arith.addf %mul3A_176, %mul3A_177 : vector<16xf32>
        %mul3A_179 = arith.constant 16 : i32
        %mul3A_180 = arith.muli %scan3A_104, %mul3A_179 : i32
        %add3A_181 = arith.constant 6144 : i32
        %add3A_182 = arith.addi %add3A_181, %mul3A_180 : i32
        %swap3A_183 = arith.index_cast %add3A_182 : i32 to index
        %swap3A_184 = tpu.vector_load %arg12[%swap3A_183] {strides = array<i32>} : memref<16384xf32, #tpu.memory_space<vmem>>, vector<16xf32>,
        tpu.vector_store %arg12[%swap3A_183], %add3A_178 {strides = array<i32>} : memref<16384xf32, #tpu.memory_space<vmem>>, vector<16xf32>,
        %add3A_185 = arith.constant 8192 : i32
        %add3A_186 = vector.broadcast %add3A_185 : i32 to vector<16xi32>
        %add3A_187 = arith.addi %get3A_108, %add3A_186 : vector<16xi32>
        %gather3A_188 = tpu.vector_load_idx %arg10[%add3A_187] : memref<16384xf32, #tpu.memory_space<vmem>>[vector<16xi32>], vector<16xf32>,
        %mul3A_189 = arith.constant 16 : i32
        %mul3A_190 = arith.muli %scan3A_104, %mul3A_189 : i32
        %add3A_191 = arith.constant 8192 : i32
        %add3A_192 = arith.addi %add3A_191, %mul3A_190 : i32
        %get3A_193 = arith.index_cast %add3A_192 : i32 to index
        %get3A_194 = tpu.vector_load %arg10[%get3A_193] {strides = array<i32>} : memref<16384xf32, #tpu.memory_space<vmem>>, vector<16xf32>,
        %mul3A_195 = arith.mulf %sub3A_5, %get3A_194 : vector<16xf32>
        %mul3A_196 = arith.mulf %get3A_110, %gather3A_188 : vector<16xf32>
        %add3A_197 = arith.addf %mul3A_195, %mul3A_196 : vector<16xf32>
        %mul3A_198 = arith.constant 16 : i32
        %mul3A_199 = arith.muli %scan3A_104, %mul3A_198 : i32
        %add3A_200 = arith.constant 8192 : i32
        %add3A_201 = arith.addi %add3A_200, %mul3A_199 : i32
        %swap3A_202 = arith.index_cast %add3A_201 : i32 to index
        %swap3A_203 = tpu.vector_load %arg12[%swap3A_202] {strides = array<i32>} : memref<16384xf32, #tpu.memory_space<vmem>>, vector<16xf32>,
        tpu.vector_store %arg12[%swap3A_202], %add3A_197 {strides = array<i32>} : memref<16384xf32, #tpu.memory_space<vmem>>, vector<16xf32>,
        %add3A_204 = arith.constant 10240 : i32
        %add3A_205 = vector.broadcast %add3A_204 : i32 to vector<16xi32>
        %add3A_206 = arith.addi %get3A_108, %add3A_205 : vector<16xi32>
        %gather3A_207 = tpu.vector_load_idx %arg10[%add3A_206] : memref<16384xf32, #tpu.memory_space<vmem>>[vector<16xi32>], vector<16xf32>,
        %mul3A_208 = arith.constant 16 : i32
        %mul3A_209 = arith.muli %scan3A_104, %mul3A_208 : i32
        %add3A_210 = arith.constant 10240 : i32
        %add3A_211 = arith.addi %add3A_210, %mul3A_209 : i32
        %get3A_212 = arith.index_cast %add3A_211 : i32 to index
        %get3A_213 = tpu.vector_load %arg10[%get3A_212] {strides = array<i32>} : memref<16384xf32, #tpu.memory_space<vmem>>, vector<16xf32>,
        %mul3A_214 = arith.mulf %sub3A_5, %get3A_213 : vector<16xf32>
        %mul3A_215 = arith.mulf %get3A_110, %gather3A_207 : vector<16xf32>
        %add3A_216 = arith.addf %mul3A_214, %mul3A_215 : vector<16xf32>
        %mul3A_217 = arith.constant 16 : i32
        %mul3A_218 = arith.muli %scan3A_104, %mul3A_217 : i32
        %add3A_219 = arith.constant 10240 : i32
        %add3A_220 = arith.addi %add3A_219, %mul3A_218 : i32
        %swap3A_221 = arith.index_cast %add3A_220 : i32 to index
        %swap3A_222 = tpu.vector_load %arg12[%swap3A_221] {strides = array<i32>} : memref<16384xf32, #tpu.memory_space<vmem>>, vector<16xf32>,
        tpu.vector_store %arg12[%swap3A_221], %add3A_216 {strides = array<i32>} : memref<16384xf32, #tpu.memory_space<vmem>>, vector<16xf32>,
        %add3A_223 = arith.constant 12288 : i32
        %add3A_224 = vector.broadcast %add3A_223 : i32 to vector<16xi32>
        %add3A_225 = arith.addi %get3A_108, %add3A_224 : vector<16xi32>
        %gather3A_226 = tpu.vector_load_idx %arg10[%add3A_225] : memref<16384xf32, #tpu.memory_space<vmem>>[vector<16xi32>], vector<16xf32>,
        %mul3A_227 = arith.constant 16 : i32
        %mul3A_228 = arith.muli %scan3A_104, %mul3A_227 : i32
        %add3A_229 = arith.constant 12288 : i32
        %add3A_230 = arith.addi %add3A_229, %mul3A_228 : i32
        %get3A_231 = arith.index_cast %add3A_230 : i32 to index
        %get3A_232 = tpu.vector_load %arg10[%get3A_231] {strides = array<i32>} : memref<16384xf32, #tpu.memory_space<vmem>>, vector<16xf32>,
        %mul3A_233 = arith.mulf %sub3A_5, %get3A_232 : vector<16xf32>
        %mul3A_234 = arith.mulf %get3A_110, %gather3A_226 : vector<16xf32>
        %add3A_235 = arith.addf %mul3A_233, %mul3A_234 : vector<16xf32>
        %mul3A_236 = arith.constant 16 : i32
        %mul3A_237 = arith.muli %scan3A_104, %mul3A_236 : i32
        %add3A_238 = arith.constant 12288 : i32
        %add3A_239 = arith.addi %add3A_238, %mul3A_237 : i32
        %swap3A_240 = arith.index_cast %add3A_239 : i32 to index
        %swap3A_241 = tpu.vector_load %arg12[%swap3A_240] {strides = array<i32>} : memref<16384xf32, #tpu.memory_space<vmem>>, vector<16xf32>,
        tpu.vector_store %arg12[%swap3A_240], %add3A_235 {strides = array<i32>} : memref<16384xf32, #tpu.memory_space<vmem>>, vector<16xf32>,
        %add3A_242 = arith.constant 14336 : i32
        %add3A_243 = vector.broadcast %add3A_242 : i32 to vector<16xi32>
        %add3A_244 = arith.addi %get3A_108, %add3A_243 : vector<16xi32>
        %gather3A_245 = tpu.vector_load_idx %arg10[%add3A_244] : memref<16384xf32, #tpu.memory_space<vmem>>[vector<16xi32>], vector<16xf32>,
        %mul3A_246 = arith.constant 16 : i32
        %mul3A_247 = arith.muli %scan3A_104, %mul3A_246 : i32
        %add3A_248 = arith.constant 14336 : i32
        %add3A_249 = arith.addi %add3A_248, %mul3A_247 : i32
        %get3A_250 = arith.index_cast %add3A_249 : i32 to index
        %get3A_251 = tpu.vector_load %arg10[%get3A_250] {strides = array<i32>} : memref<16384xf32, #tpu.memory_space<vmem>>, vector<16xf32>,
        %mul3A_252 = arith.mulf %sub3A_5, %get3A_251 : vector<16xf32>
        %mul3A_253 = arith.mulf %get3A_110, %gather3A_245 : vector<16xf32>
        %add3A_254 = arith.addf %mul3A_252, %mul3A_253 : vector<16xf32>
        %mul3A_255 = arith.constant 16 : i32
        %mul3A_256 = arith.muli %scan3A_104, %mul3A_255 : i32
        %add3A_257 = arith.constant 14336 : i32
        %add3A_258 = arith.addi %add3A_257, %mul3A_256 : i32
        %swap3A_259 = arith.index_cast %add3A_258 : i32 to index
        %swap3A_260 = tpu.vector_load %arg12[%swap3A_259] {strides = array<i32>} : memref<16384xf32, #tpu.memory_space<vmem>>, vector<16xf32>,
        tpu.vector_store %arg12[%swap3A_259], %add3A_254 {strides = array<i32>} : memref<16384xf32, #tpu.memory_space<vmem>>, vector<16xf32>,
      }
      %scan3A_55 = arith.constant 128 : i32
      %mul3A_56 = arith.constant 2048 : i32
      %mul3A_57 = arith.muli %mul3A_2, %mul3A_56 : i32
      %mul3A_58 = arith.constant 16384 : i32
      %mul3A_59 = arith.muli %add3A_41, %mul3A_58 : i32
      %add3A_60 = arith.addi %mul3A_57, %mul3A_59 : i32
      %dma_start3A_61 = tpu.memref_slice %arg6[%add3A_60] : memref<33554432xf32, #tpu.memory_space<hbm>> -> memref<16384xf32, #tpu.memory_space<hbm>>
      %dma_start3A_62 = tpu.memref_slice %arg6[%add3A_60] : memref<33554432xf32, #tpu.memory_space<hbm>> -> memref<16384xf32, #tpu.memory_space<hbm>>
      tpu.enqueue_dma source(%arg12 : memref<16384xf32, #tpu.memory_space<vmem>>) target(%dma_start3A_62 : memref<16384xf32, #tpu.memory_space<hbm>>) target_semaphore(%arg16 : memref<!tpu.dma_semaphore, #tpu.memory_space<semaphore_mem>>)
      %add3A_63 = arith.constant 2 : i32
      %add3A_64 = arith.addi %add3A_41, %add3A_63 : i32
      %lt3A = arith.constant 64 : i32
      %lt3A_65 = arith.cmpi slt, %add3A_64, %lt3A : i32
      %convert_element_type3A_66 = arith.extui %lt3A_65 : i1 to i32
      %cond3A_67 = arith.constant 0 : i32
      %cond3A_68 = arith.cmpi ne, %convert_element_type3A_66, %cond3A_67 : i32
      scf.if %cond3A_68 {
        %add3A_104 = arith.constant 2 : i32
        %add3A_105 = arith.addi %add3A_41, %add3A_104 : i32
        %mul3A_106 = arith.constant 2048 : i32
        %mul3A_107 = arith.muli %mul3A_2, %mul3A_106 : i32
        %mul3A_108 = arith.constant 16384 : i32
        %mul3A_109 = arith.muli %add3A_105, %mul3A_108 : i32
        %add3A_110 = arith.addi %mul3A_107, %mul3A_109 : i32
        %dma_start3A_111 = tpu.memref_slice %arg2[%add3A_110] : memref<33554432xf32, #tpu.memory_space<hbm>> -> memref<16384xf32, #tpu.memory_space<hbm>>
        %dma_start3A_112 = tpu.memref_slice %arg2[%add3A_110] : memref<33554432xf32, #tpu.memory_space<hbm>> -> memref<16384xf32, #tpu.memory_space<hbm>>
        tpu.enqueue_dma source(%dma_start3A_112 : memref<16384xf32, #tpu.memory_space<hbm>>) target(%arg10 : memref<16384xf32, #tpu.memory_space<vmem>>) target_semaphore(%arg14 : memref<!tpu.dma_semaphore, #tpu.memory_space<semaphore_mem>>)
      } else {
      }
      %mul3A_69 = arith.constant 2 : i32
      %mul3A_70 = arith.muli %scan3A_37, %mul3A_69 : i32
      %add3A_71 = arith.constant 1 : i32
      %add3A_72 = arith.addi %mul3A_70, %add3A_71 : i32
      %mul3A_73 = arith.constant 2048 : i32
      %mul3A_74 = arith.muli %mul3A_2, %mul3A_73 : i32
      %mul3A_75 = arith.constant 16384 : i32
      %mul3A_76 = arith.muli %add3A_72, %mul3A_75 : i32
      %add3A_77 = arith.addi %mul3A_74, %mul3A_76 : i32
      %dma_wait3A_78 = tpu.memref_slice %arg2[%add3A_77] : memref<33554432xf32, #tpu.memory_space<hbm>> -> memref<16384xf32, #tpu.memory_space<hbm>>
      %dma_wait3A_79 = tpu.memref_slice %arg2[%add3A_77] : memref<33554432xf32, #tpu.memory_space<hbm>> -> memref<16384xf32, #tpu.memory_space<hbm>>
      tpu.wait_dma2 semaphore(%arg15 : memref<!tpu.dma_semaphore, #tpu.memory_space<semaphore_mem>>) src(%dma_wait3A_79 : memref<16384xf32, #tpu.memory_space<hbm>>) dst(%arg11 : memref<16384xf32, #tpu.memory_space<vmem>>)
      %gt3A_80 = arith.constant 0 : i32
      %gt3A_81 = arith.cmpi sgt, %scan3A_37, %gt3A_80 : i32
      %convert_element_type3A_82 = arith.extui %gt3A_81 : i1 to i32
      %cond3A_83 = arith.constant 0 : i32
      %cond3A_84 = arith.cmpi ne, %convert_element_type3A_82, %cond3A_83 : i32
      scf.if %cond3A_84 {
        %sub3A_104 = arith.constant 2 : i32
        %sub3A_105 = arith.subi %add3A_72, %sub3A_104 : i32
        %mul3A_106 = arith.constant 2048 : i32
        %mul3A_107 = arith.muli %mul3A_2, %mul3A_106 : i32
        %mul3A_108 = arith.constant 16384 : i32
        %mul3A_109 = arith.muli %sub3A_105, %mul3A_108 : i32
        %add3A_110 = arith.addi %mul3A_107, %mul3A_109 : i32
        %dma_wait3A_111 = tpu.memref_slice %arg6[%add3A_110] : memref<33554432xf32, #tpu.memory_space<hbm>> -> memref<16384xf32, #tpu.memory_space<hbm>>
        %dma_wait3A_112 = tpu.memref_slice %arg6[%add3A_110] : memref<33554432xf32, #tpu.memory_space<hbm>> -> memref<16384xf32, #tpu.memory_space<hbm>>
        tpu.wait_dma2 semaphore(%arg17 : memref<!tpu.dma_semaphore, #tpu.memory_space<semaphore_mem>>) src(%arg13 : memref<16384xf32, #tpu.memory_space<vmem>>) dst(%dma_wait3A_112 : memref<16384xf32, #tpu.memory_space<hbm>>)
      } else {
      }
      %scan3A_85 = arith.constant 0 : i32
      %scan3A_86 = arith.constant 128 : i32
      %scan3A_87 = arith.addi %scan3A_85, %scan3A_86 : i32
      %scan3A_88 = arith.constant 1 : i32
      scf.for %scan3A_104 = %scan3A_85 to %scan3A_87 step %scan3A_88  : i32 {
        %mul3A_105 = arith.constant 16 : i32
        %mul3A_106 = arith.muli %scan3A_104, %mul3A_105 : i32
        %get3A_107 = arith.index_cast %mul3A_106 : i32 to index
        %get3A_108 = tpu.vector_load %arg7[%get3A_107] {strides = array<i32>} : memref<2048xi32, #tpu.memory_space<vmem>>, vector<16xi32>,
        %get3A_109 = arith.index_cast %mul3A_106 : i32 to index
        %get3A_110 = tpu.vector_load %arg8[%get3A_109] {strides = array<i32>} : memref<2048xf32, #tpu.memory_space<vmem>>, vector<16xf32>,
        %add3A_111 = arith.constant 0 : i32
        %add3A_112 = vector.broadcast %add3A_111 : i32 to vector<16xi32>
        %add3A_113 = arith.addi %get3A_108, %add3A_112 : vector<16xi32>
        %gather3A = tpu.vector_load_idx %arg11[%add3A_113] : memref<16384xf32, #tpu.memory_space<vmem>>[vector<16xi32>], vector<16xf32>,
        %mul3A_114 = arith.constant 16 : i32
        %mul3A_115 = arith.muli %scan3A_104, %mul3A_114 : i32
        %add3A_116 = arith.constant 0 : i32
        %add3A_117 = arith.addi %add3A_116, %mul3A_115 : i32
        %get3A_118 = arith.index_cast %add3A_117 : i32 to index
        %get3A_119 = tpu.vector_load %arg11[%get3A_118] {strides = array<i32>} : memref<16384xf32, #tpu.memory_space<vmem>>, vector<16xf32>,
        %mul3A_120 = arith.mulf %sub3A_5, %get3A_119 : vector<16xf32>
        %mul3A_121 = arith.mulf %get3A_110, %gather3A : vector<16xf32>
        %add3A_122 = arith.addf %mul3A_120, %mul3A_121 : vector<16xf32>
        %mul3A_123 = arith.constant 16 : i32
        %mul3A_124 = arith.muli %scan3A_104, %mul3A_123 : i32
        %add3A_125 = arith.constant 0 : i32
        %add3A_126 = arith.addi %add3A_125, %mul3A_124 : i32
        %swap3A = arith.index_cast %add3A_126 : i32 to index
        %swap3A_127 = tpu.vector_load %arg13[%swap3A] {strides = array<i32>} : memref<16384xf32, #tpu.memory_space<vmem>>, vector<16xf32>,
        tpu.vector_store %arg13[%swap3A], %add3A_122 {strides = array<i32>} : memref<16384xf32, #tpu.memory_space<vmem>>, vector<16xf32>,
        %add3A_128 = arith.constant 2048 : i32
        %add3A_129 = vector.broadcast %add3A_128 : i32 to vector<16xi32>
        %add3A_130 = arith.addi %get3A_108, %add3A_129 : vector<16xi32>
        %gather3A_131 = tpu.vector_load_idx %arg11[%add3A_130] : memref<16384xf32, #tpu.memory_space<vmem>>[vector<16xi32>], vector<16xf32>,
        %mul3A_132 = arith.constant 16 : i32
        %mul3A_133 = arith.muli %scan3A_104, %mul3A_132 : i32
        %add3A_134 = arith.constant 2048 : i32
        %add3A_135 = arith.addi %add3A_134, %mul3A_133 : i32
        %get3A_136 = arith.index_cast %add3A_135 : i32 to index
        %get3A_137 = tpu.vector_load %arg11[%get3A_136] {strides = array<i32>} : memref<16384xf32, #tpu.memory_space<vmem>>, vector<16xf32>,
        %mul3A_138 = arith.mulf %sub3A_5, %get3A_137 : vector<16xf32>
        %mul3A_139 = arith.mulf %get3A_110, %gather3A_131 : vector<16xf32>
        %add3A_140 = arith.addf %mul3A_138, %mul3A_139 : vector<16xf32>
        %mul3A_141 = arith.constant 16 : i32
        %mul3A_142 = arith.muli %scan3A_104, %mul3A_141 : i32
        %add3A_143 = arith.constant 2048 : i32
        %add3A_144 = arith.addi %add3A_143, %mul3A_142 : i32
        %swap3A_145 = arith.index_cast %add3A_144 : i32 to index
        %swap3A_146 = tpu.vector_load %arg13[%swap3A_145] {strides = array<i32>} : memref<16384xf32, #tpu.memory_space<vmem>>, vector<16xf32>,
        tpu.vector_store %arg13[%swap3A_145], %add3A_140 {strides = array<i32>} : memref<16384xf32, #tpu.memory_space<vmem>>, vector<16xf32>,
        %add3A_147 = arith.constant 4096 : i32
        %add3A_148 = vector.broadcast %add3A_147 : i32 to vector<16xi32>
        %add3A_149 = arith.addi %get3A_108, %add3A_148 : vector<16xi32>
        %gather3A_150 = tpu.vector_load_idx %arg11[%add3A_149] : memref<16384xf32, #tpu.memory_space<vmem>>[vector<16xi32>], vector<16xf32>,
        %mul3A_151 = arith.constant 16 : i32
        %mul3A_152 = arith.muli %scan3A_104, %mul3A_151 : i32
        %add3A_153 = arith.constant 4096 : i32
        %add3A_154 = arith.addi %add3A_153, %mul3A_152 : i32
        %get3A_155 = arith.index_cast %add3A_154 : i32 to index
        %get3A_156 = tpu.vector_load %arg11[%get3A_155] {strides = array<i32>} : memref<16384xf32, #tpu.memory_space<vmem>>, vector<16xf32>,
        %mul3A_157 = arith.mulf %sub3A_5, %get3A_156 : vector<16xf32>
        %mul3A_158 = arith.mulf %get3A_110, %gather3A_150 : vector<16xf32>
        %add3A_159 = arith.addf %mul3A_157, %mul3A_158 : vector<16xf32>
        %mul3A_160 = arith.constant 16 : i32
        %mul3A_161 = arith.muli %scan3A_104, %mul3A_160 : i32
        %add3A_162 = arith.constant 4096 : i32
        %add3A_163 = arith.addi %add3A_162, %mul3A_161 : i32
        %swap3A_164 = arith.index_cast %add3A_163 : i32 to index
        %swap3A_165 = tpu.vector_load %arg13[%swap3A_164] {strides = array<i32>} : memref<16384xf32, #tpu.memory_space<vmem>>, vector<16xf32>,
        tpu.vector_store %arg13[%swap3A_164], %add3A_159 {strides = array<i32>} : memref<16384xf32, #tpu.memory_space<vmem>>, vector<16xf32>,
        %add3A_166 = arith.constant 6144 : i32
        %add3A_167 = vector.broadcast %add3A_166 : i32 to vector<16xi32>
        %add3A_168 = arith.addi %get3A_108, %add3A_167 : vector<16xi32>
        %gather3A_169 = tpu.vector_load_idx %arg11[%add3A_168] : memref<16384xf32, #tpu.memory_space<vmem>>[vector<16xi32>], vector<16xf32>,
        %mul3A_170 = arith.constant 16 : i32
        %mul3A_171 = arith.muli %scan3A_104, %mul3A_170 : i32
        %add3A_172 = arith.constant 6144 : i32
        %add3A_173 = arith.addi %add3A_172, %mul3A_171 : i32
        %get3A_174 = arith.index_cast %add3A_173 : i32 to index
        %get3A_175 = tpu.vector_load %arg11[%get3A_174] {strides = array<i32>} : memref<16384xf32, #tpu.memory_space<vmem>>, vector<16xf32>,
        %mul3A_176 = arith.mulf %sub3A_5, %get3A_175 : vector<16xf32>
        %mul3A_177 = arith.mulf %get3A_110, %gather3A_169 : vector<16xf32>
        %add3A_178 = arith.addf %mul3A_176, %mul3A_177 : vector<16xf32>
        %mul3A_179 = arith.constant 16 : i32
        %mul3A_180 = arith.muli %scan3A_104, %mul3A_179 : i32
        %add3A_181 = arith.constant 6144 : i32
        %add3A_182 = arith.addi %add3A_181, %mul3A_180 : i32
        %swap3A_183 = arith.index_cast %add3A_182 : i32 to index
        %swap3A_184 = tpu.vector_load %arg13[%swap3A_183] {strides = array<i32>} : memref<16384xf32, #tpu.memory_space<vmem>>, vector<16xf32>,
        tpu.vector_store %arg13[%swap3A_183], %add3A_178 {strides = array<i32>} : memref<16384xf32, #tpu.memory_space<vmem>>, vector<16xf32>,
        %add3A_185 = arith.constant 8192 : i32
        %add3A_186 = vector.broadcast %add3A_185 : i32 to vector<16xi32>
        %add3A_187 = arith.addi %get3A_108, %add3A_186 : vector<16xi32>
        %gather3A_188 = tpu.vector_load_idx %arg11[%add3A_187] : memref<16384xf32, #tpu.memory_space<vmem>>[vector<16xi32>], vector<16xf32>,
        %mul3A_189 = arith.constant 16 : i32
        %mul3A_190 = arith.muli %scan3A_104, %mul3A_189 : i32
        %add3A_191 = arith.constant 8192 : i32
        %add3A_192 = arith.addi %add3A_191, %mul3A_190 : i32
        %get3A_193 = arith.index_cast %add3A_192 : i32 to index
        %get3A_194 = tpu.vector_load %arg11[%get3A_193] {strides = array<i32>} : memref<16384xf32, #tpu.memory_space<vmem>>, vector<16xf32>,
        %mul3A_195 = arith.mulf %sub3A_5, %get3A_194 : vector<16xf32>
        %mul3A_196 = arith.mulf %get3A_110, %gather3A_188 : vector<16xf32>
        %add3A_197 = arith.addf %mul3A_195, %mul3A_196 : vector<16xf32>
        %mul3A_198 = arith.constant 16 : i32
        %mul3A_199 = arith.muli %scan3A_104, %mul3A_198 : i32
        %add3A_200 = arith.constant 8192 : i32
        %add3A_201 = arith.addi %add3A_200, %mul3A_199 : i32
        %swap3A_202 = arith.index_cast %add3A_201 : i32 to index
        %swap3A_203 = tpu.vector_load %arg13[%swap3A_202] {strides = array<i32>} : memref<16384xf32, #tpu.memory_space<vmem>>, vector<16xf32>,
        tpu.vector_store %arg13[%swap3A_202], %add3A_197 {strides = array<i32>} : memref<16384xf32, #tpu.memory_space<vmem>>, vector<16xf32>,
        %add3A_204 = arith.constant 10240 : i32
        %add3A_205 = vector.broadcast %add3A_204 : i32 to vector<16xi32>
        %add3A_206 = arith.addi %get3A_108, %add3A_205 : vector<16xi32>
        %gather3A_207 = tpu.vector_load_idx %arg11[%add3A_206] : memref<16384xf32, #tpu.memory_space<vmem>>[vector<16xi32>], vector<16xf32>,
        %mul3A_208 = arith.constant 16 : i32
        %mul3A_209 = arith.muli %scan3A_104, %mul3A_208 : i32
        %add3A_210 = arith.constant 10240 : i32
        %add3A_211 = arith.addi %add3A_210, %mul3A_209 : i32
        %get3A_212 = arith.index_cast %add3A_211 : i32 to index
        %get3A_213 = tpu.vector_load %arg11[%get3A_212] {strides = array<i32>} : memref<16384xf32, #tpu.memory_space<vmem>>, vector<16xf32>,
        %mul3A_214 = arith.mulf %sub3A_5, %get3A_213 : vector<16xf32>
        %mul3A_215 = arith.mulf %get3A_110, %gather3A_207 : vector<16xf32>
        %add3A_216 = arith.addf %mul3A_214, %mul3A_215 : vector<16xf32>
        %mul3A_217 = arith.constant 16 : i32
        %mul3A_218 = arith.muli %scan3A_104, %mul3A_217 : i32
        %add3A_219 = arith.constant 10240 : i32
        %add3A_220 = arith.addi %add3A_219, %mul3A_218 : i32
        %swap3A_221 = arith.index_cast %add3A_220 : i32 to index
        %swap3A_222 = tpu.vector_load %arg13[%swap3A_221] {strides = array<i32>} : memref<16384xf32, #tpu.memory_space<vmem>>, vector<16xf32>,
        tpu.vector_store %arg13[%swap3A_221], %add3A_216 {strides = array<i32>} : memref<16384xf32, #tpu.memory_space<vmem>>, vector<16xf32>,
        %add3A_223 = arith.constant 12288 : i32
        %add3A_224 = vector.broadcast %add3A_223 : i32 to vector<16xi32>
        %add3A_225 = arith.addi %get3A_108, %add3A_224 : vector<16xi32>
        %gather3A_226 = tpu.vector_load_idx %arg11[%add3A_225] : memref<16384xf32, #tpu.memory_space<vmem>>[vector<16xi32>], vector<16xf32>,
        %mul3A_227 = arith.constant 16 : i32
        %mul3A_228 = arith.muli %scan3A_104, %mul3A_227 : i32
        %add3A_229 = arith.constant 12288 : i32
        %add3A_230 = arith.addi %add3A_229, %mul3A_228 : i32
        %get3A_231 = arith.index_cast %add3A_230 : i32 to index
        %get3A_232 = tpu.vector_load %arg11[%get3A_231] {strides = array<i32>} : memref<16384xf32, #tpu.memory_space<vmem>>, vector<16xf32>,
        %mul3A_233 = arith.mulf %sub3A_5, %get3A_232 : vector<16xf32>
        %mul3A_234 = arith.mulf %get3A_110, %gather3A_226 : vector<16xf32>
        %add3A_235 = arith.addf %mul3A_233, %mul3A_234 : vector<16xf32>
        %mul3A_236 = arith.constant 16 : i32
        %mul3A_237 = arith.muli %scan3A_104, %mul3A_236 : i32
        %add3A_238 = arith.constant 12288 : i32
        %add3A_239 = arith.addi %add3A_238, %mul3A_237 : i32
        %swap3A_240 = arith.index_cast %add3A_239 : i32 to index
        %swap3A_241 = tpu.vector_load %arg13[%swap3A_240] {strides = array<i32>} : memref<16384xf32, #tpu.memory_space<vmem>>, vector<16xf32>,
        tpu.vector_store %arg13[%swap3A_240], %add3A_235 {strides = array<i32>} : memref<16384xf32, #tpu.memory_space<vmem>>, vector<16xf32>,
        %add3A_242 = arith.constant 14336 : i32
        %add3A_243 = vector.broadcast %add3A_242 : i32 to vector<16xi32>
        %add3A_244 = arith.addi %get3A_108, %add3A_243 : vector<16xi32>
        %gather3A_245 = tpu.vector_load_idx %arg11[%add3A_244] : memref<16384xf32, #tpu.memory_space<vmem>>[vector<16xi32>], vector<16xf32>,
        %mul3A_246 = arith.constant 16 : i32
        %mul3A_247 = arith.muli %scan3A_104, %mul3A_246 : i32
        %add3A_248 = arith.constant 14336 : i32
        %add3A_249 = arith.addi %add3A_248, %mul3A_247 : i32
        %get3A_250 = arith.index_cast %add3A_249 : i32 to index
        %get3A_251 = tpu.vector_load %arg11[%get3A_250] {strides = array<i32>} : memref<16384xf32, #tpu.memory_space<vmem>>, vector<16xf32>,
        %mul3A_252 = arith.mulf %sub3A_5, %get3A_251 : vector<16xf32>
        %mul3A_253 = arith.mulf %get3A_110, %gather3A_245 : vector<16xf32>
        %add3A_254 = arith.addf %mul3A_252, %mul3A_253 : vector<16xf32>
        %mul3A_255 = arith.constant 16 : i32
        %mul3A_256 = arith.muli %scan3A_104, %mul3A_255 : i32
        %add3A_257 = arith.constant 14336 : i32
        %add3A_258 = arith.addi %add3A_257, %mul3A_256 : i32
        %swap3A_259 = arith.index_cast %add3A_258 : i32 to index
        %swap3A_260 = tpu.vector_load %arg13[%swap3A_259] {strides = array<i32>} : memref<16384xf32, #tpu.memory_space<vmem>>, vector<16xf32>,
        tpu.vector_store %arg13[%swap3A_259], %add3A_254 {strides = array<i32>} : memref<16384xf32, #tpu.memory_space<vmem>>, vector<16xf32>,
      }
      %scan3A_89 = arith.constant 128 : i32
      %mul3A_90 = arith.constant 2048 : i32
      %mul3A_91 = arith.muli %mul3A_2, %mul3A_90 : i32
      %mul3A_92 = arith.constant 16384 : i32
      %mul3A_93 = arith.muli %add3A_72, %mul3A_92 : i32
      %add3A_94 = arith.addi %mul3A_91, %mul3A_93 : i32
      %dma_start3A_95 = tpu.memref_slice %arg6[%add3A_94] : memref<33554432xf32, #tpu.memory_space<hbm>> -> memref<16384xf32, #tpu.memory_space<hbm>>
      %dma_start3A_96 = tpu.memref_slice %arg6[%add3A_94] : memref<33554432xf32, #tpu.memory_space<hbm>> -> memref<16384xf32, #tpu.memory_space<hbm>>
      tpu.enqueue_dma source(%arg13 : memref<16384xf32, #tpu.memory_space<vmem>>) target(%dma_start3A_96 : memref<16384xf32, #tpu.memory_space<hbm>>) target_semaphore(%arg17 : memref<!tpu.dma_semaphore, #tpu.memory_space<semaphore_mem>>)
      %add3A_97 = arith.constant 2 : i32
      %add3A_98 = arith.addi %add3A_72, %add3A_97 : i32
      %lt3A_99 = arith.constant 64 : i32
      %lt3A_100 = arith.cmpi slt, %add3A_98, %lt3A_99 : i32
      %convert_element_type3A_101 = arith.extui %lt3A_100 : i1 to i32
      %cond3A_102 = arith.constant 0 : i32
      %cond3A_103 = arith.cmpi ne, %convert_element_type3A_101, %cond3A_102 : i32
      scf.if %cond3A_103 {
        %add3A_104 = arith.constant 2 : i32
        %add3A_105 = arith.addi %add3A_72, %add3A_104 : i32
        %mul3A_106 = arith.constant 2048 : i32
        %mul3A_107 = arith.muli %mul3A_2, %mul3A_106 : i32
        %mul3A_108 = arith.constant 16384 : i32
        %mul3A_109 = arith.muli %add3A_105, %mul3A_108 : i32
        %add3A_110 = arith.addi %mul3A_107, %mul3A_109 : i32
        %dma_start3A_111 = tpu.memref_slice %arg2[%add3A_110] : memref<33554432xf32, #tpu.memory_space<hbm>> -> memref<16384xf32, #tpu.memory_space<hbm>>
        %dma_start3A_112 = tpu.memref_slice %arg2[%add3A_110] : memref<33554432xf32, #tpu.memory_space<hbm>> -> memref<16384xf32, #tpu.memory_space<hbm>>
        tpu.enqueue_dma source(%dma_start3A_112 : memref<16384xf32, #tpu.memory_space<hbm>>) target(%arg11 : memref<16384xf32, #tpu.memory_space<vmem>>) target_semaphore(%arg15 : memref<!tpu.dma_semaphore, #tpu.memory_space<semaphore_mem>>)
      } else {
      }
    }
    %scan3A_25 = arith.constant 32 : i32
    %mul3A_26 = arith.constant 2048 : i32
    %mul3A_27 = arith.muli %mul3A_2, %mul3A_26 : i32
    %add3A_28 = arith.constant 1015808 : i32
    %add3A_29 = arith.addi %mul3A_27, %add3A_28 : i32
    %dma_wait3A = tpu.memref_slice %arg6[%add3A_29] : memref<33554432xf32, #tpu.memory_space<hbm>> -> memref<16384xf32, #tpu.memory_space<hbm>>
    %dma_wait3A_30 = tpu.memref_slice %arg6[%add3A_29] : memref<33554432xf32, #tpu.memory_space<hbm>> -> memref<16384xf32, #tpu.memory_space<hbm>>
    tpu.wait_dma2 semaphore(%arg16 : memref<!tpu.dma_semaphore, #tpu.memory_space<semaphore_mem>>) src(%arg12 : memref<16384xf32, #tpu.memory_space<vmem>>) dst(%dma_wait3A_30 : memref<16384xf32, #tpu.memory_space<hbm>>)
    %mul3A_31 = arith.constant 2048 : i32
    %mul3A_32 = arith.muli %mul3A_2, %mul3A_31 : i32
    %add3A_33 = arith.constant 1032192 : i32
    %add3A_34 = arith.addi %mul3A_32, %add3A_33 : i32
    %dma_wait3A_35 = tpu.memref_slice %arg6[%add3A_34] : memref<33554432xf32, #tpu.memory_space<hbm>> -> memref<16384xf32, #tpu.memory_space<hbm>>
    %dma_wait3A_36 = tpu.memref_slice %arg6[%add3A_34] : memref<33554432xf32, #tpu.memory_space<hbm>> -> memref<16384xf32, #tpu.memory_space<hbm>>
    tpu.wait_dma2 semaphore(%arg17 : memref<!tpu.dma_semaphore, #tpu.memory_space<semaphore_mem>>) src(%arg13 : memref<16384xf32, #tpu.memory_space<vmem>>) dst(%dma_wait3A_36 : memref<16384xf32, #tpu.memory_space<hbm>>)
    return
  }
}

</mosaic_0001>

<sc_bundles>
// kernel: kernel.3.cloned.1.call-start
scs
__scs_entry_jumppad:
0x0: {  	(pc) =	sbr.rel $0x88, $3  }
0x1: {  	(tag) =	ssettag $0x0;
	lr =	simm.s32 $0x1  }
0x2: {  	[smem:$0x3F9D] =	sst lr;
	_ =	strace $0xD0000000  }
0x3: {  	_ = 	snop  }
0x4: {  	_ = 	snop  }
0x5: {  	_ = 	snop  }
0x6: {  	_ = 	snop  }
0x7: {  	_ = 	snop  }
__scs_overlays_trampoline_lowered:
0x8: {  	[smem:$0x3FAC] =	sst s0  }
0x9: {  	[smem:$0x3FAD] =	sst s1  }
0xa: {  	[smem:$0x3FAE] =	sst s2  }
0xb: {  	[smem:$0x3FAF] =	sst s3  }
0xc: {  	[smem:$0x3FB0] =	sst s4  }
0xd: {  	[smem:$0x3FB1] =	sst s5  }
0xe: {  	[smem:$0x3FB2] =	sst s6  }
0xf: {  	[smem:$0x3FB3] =	sst s7  }
0x10: {  	[smem:$0x3FB4] =	sst s8  }
0x11: {  	[smem:$0x3FB5] =	sst s9;
	s0 =	simm.s32 @!p0 $0x0  }
0x12: {  	s1 =	sld [smem:$0x3F9B];
	s0 =	simm.s32 @p0 $0x1  }
0x13: {  	[smem:$0x3FB6] =	sst s0;
	s0 =	simm.s32 @!p1 $0x0  }
0x14: {  	s2 =	sld [smem:$0x3F9A];
	s0 =	simm.s32 @p1 $0x1  }
0x15: {  	[smem:$0x3FB7] =	sst s0;
	s0 =	simm.s32 @!p2 $0x0  }
0x16: {  	s3 =	sld [smem:$0x3FDB];
	s0 =	simm.s32 @p2 $0x1  }
0x17: {  	s4 =	simm.s32 $0x1BF5;
	[smem:$0x3FB9] =	sst s0  }
0x18: {  	s0 =	sld [smem:$0x3F9C];
	_ =	swait.ge [sflag:s4], $0x0  }
0x19: {  	s7 =	sld [smem:$0x3F9D]  }
0x1a: {  	s8 =	sadd.s32 $0xFFFFE003, lr  }
0x1b: {  	s9 =	sadd.s32 $0xFFFFFEF7, lr;
	s5 =	simm.s32 $0xFFFFFFFF;
	p2 =	slt.u32 s8, $0xFFFFF086  }
0x1c: {  	p1 =	slt.u32 s9, $0xF7A;
	s5 =	simm.s32 @!p2 $0x0  }
0x1d: {  	s5 =	simm.s32 @p1 $0x1;
	p0 =	seq.s32 s7, s2  }
0x1e: {  	s7 =	smul.u32 @!p0 $0xF7A, s2;
	p2 =	seq.s32 @!p0 s5, $0x0  }
0x1f: {  	s9 =	smul.u32 $0xF7A, s1;
	s8 =	simm.s32 @!p0 $0x1BF5;
	p2 =	por !p2, p0  }
0x20: {  	[sflag:s8] =	ssyncset.s32 @!p0 $0xFFFFF086;
	s6 =	sadd.s32 @!p0 s3, s7;
	s7 =	simm.s32 @!p0 $0x108  }
0x21: {  	s3 =	sadd.s32 s3, s9;
	s6 =	sadd.s32 @!p0 $0x88, s6;
	s7 =	simm.s32 @p2 $0x1082  }
0x22: {  	[simem:s7], [sflag:s8] =	dma.local @!p0 [hbm:s6], $0xF7A  }
0x23: {  	s9 =	sor.u32 $0xD0000000, s2;
	s6 =	simm.s32 $0x108;
	_ =	swait.ge @!p0 [sflag:s8], $0x0  }
0x24: {  	s3 =	sadd.s32 $0x88, s3;
	s6 =	simm.s32 @!p1 $0x1082;
	[sflag:s4] =	ssyncset.s32 $0xFFFFF086  }
0x25: {  	[simem:s6], [sflag:s4] =	dma.local [hbm:s3], $0xF7A  }
0x26: {  	[smem:$0x3F9D] =	sst s1;
	(tag) =	ssettag s2;
	_ =	strace s9  }
0x27: {  	s1 =	sld [smem:$0x3FAD]  }
0x28: {  	s2 =	sld [smem:$0x3FAE]  }
0x29: {  	s4 =	sld [smem:$0x3FB0]  }
0x2a: {  	p0 =	seq.s32 s5, $0x0;
	s5 =	sld [smem:$0x3FB1]  }
0x2b: {  	s6 =	sld [smem:$0x3FB2]  }
0x2c: {  	s7 =	sld [smem:$0x3FB3]  }
0x2d: {  	s3 =	simm.s32 $0x108;
	s8 =	sld [smem:$0x3FB4]  }
0x2e: {  	s3 =	simm.s32 @!p0 $0x1082;
	s9 =	sld [smem:$0x3FB5]  }
0x2f: {  	lr =	sadd.s32 s0, s3;
	s0 =	sld [smem:$0x3FAC]  }
0x30: {  	s3 =	sld [smem:$0x3FAF]  }
0x31: {  	[smem:$0x3FB8] =	sst s10  }
0x32: {  	s10 =	sld [smem:$0x3FB6];
	_ =	sdelay $0x3  }
0x33: {  	p0 =	seq.s32 s10, $0x1;
	s10 =	sld [smem:$0x3FB8];
	_ =	sdelay $0x3  }
0x34: {  	[smem:$0x3FB8] =	sst s10  }
0x35: {  	s10 =	sld [smem:$0x3FB7];
	_ =	sdelay $0x3  }
0x36: {  	p1 =	seq.s32 s10, $0x1;
	s10 =	sld [smem:$0x3FB8];
	_ =	sdelay $0x3  }
0x37: {  	[smem:$0x3FB8] =	sst s10  }
0x38: {  	s10 =	sld [smem:$0x3FB9]  }
0x39: {  	_ = 	snop;
	(pc) =	sbr.ind lr, $3  }
0x3a: {  	_ = 	snop  }
0x3b: {  	_ = 	snop  }
0x3c: {  	p2 =	seq.s32 s10, $0x1;
	s10 =	sld [smem:$0x3FB8]  }
0x3d: {  	_ =	shalt  }
0x3e: {  	_ =	shalt  }
0x3f: {  	_ =	shalt  }
0x40: {  	_ =	shalt  }
0x41: {  	_ =	shalt  }
0x42: {  	_ =	shalt  }
0x43: {  	_ =	shalt  }
0x44: {  	_ =	shalt  }
0x45: {  	_ =	shalt  }
0x46: {  	_ =	shalt  }
0x47: {  	_ =	shalt  }
0x48: {  	_ =	shalt  }
0x49: {  	_ =	shalt  }
0x4a: {  	_ =	shalt  }
0x4b: {  	_ =	shalt  }
0x4c: {  	_ =	shalt  }
0x4d: {  	_ =	shalt  }
0x4e: {  	_ =	shalt  }
0x4f: {  	_ =	shalt  }
0x50: {  	_ =	shalt  }
0x51: {  	_ =	shalt  }
0x52: {  	_ =	shalt  }
0x53: {  	_ =	shalt  }
0x54: {  	_ =	shalt  }
0x55: {  	_ =	shalt  }
0x56: {  	_ =	shalt  }
0x57: {  	_ =	shalt  }
0x58: {  	_ =	shalt  }
0x59: {  	_ =	shalt  }
0x5a: {  	_ =	shalt  }
0x5b: {  	_ =	shalt  }
0x5c: {  	_ =	shalt  }
0x5d: {  	_ =	shalt  }
0x5e: {  	_ =	shalt  }
0x5f: {  	_ =	shalt  }
0x60: {  	_ =	shalt  }
0x61: {  	_ =	shalt  }
0x62: {  	_ =	shalt  }
0x63: {  	_ =	shalt  }
0x64: {  	_ =	shalt  }
0x65: {  	_ =	shalt  }
0x66: {  	_ =	shalt  }
0x67: {  	_ =	shalt  }
0x68: {  	_ =	shalt  }
0x69: {  	_ =	shalt  }
0x6a: {  	_ =	shalt  }
0x6b: {  	_ =	shalt  }
0x6c: {  	_ =	shalt  }
0x6d: {  	_ =	shalt  }
0x6e: {  	_ =	shalt  }
0x6f: {  	_ =	shalt  }
0x70: {  	_ =	shalt  }
0x71: {  	_ =	shalt  }
0x72: {  	_ =	shalt  }
0x73: {  	_ =	shalt  }
0x74: {  	_ =	shalt  }
0x75: {  	_ =	shalt  }
0x76: {  	_ =	shalt  }
0x77: {  	_ =	shalt  }
0x78: {  	_ =	shalt  }
0x79: {  	_ =	shalt  }
0x7a: {  	_ =	shalt  }
0x7b: {  	_ =	shalt  }
0x7c: {  	_ =	shalt  }
0x7d: {  	_ =	shalt  }
0x7e: {  	_ =	shalt  }
0x7f: {  	_ =	shalt  }
0x80: {  	_ =	shalt  }
0x81: {  	_ =	shalt  }
0x82: {  	_ =	shalt  }
0x83: {  	_ =	shalt  }
0x84: {  	_ =	shalt  }
0x85: {  	_ =	shalt  }
0x86: {  	_ =	shalt  }
0x87: {  	_ =	shalt  }
.Lfunc_end0:
.L_simem_size_0:
called_computation.1_lowered:
.L_overlay_start_0:
0x88: {  	s2 =	sld [smem:$0x3FD9]  }
0x89: {  	s3 =	sld [smem:$0x3FFE];
	_ =	sdelay $0x1  }
0x8a: {  	s1 =	srdreg.scid  }
0x8b: {  	s0 =	sand.u32 $0x1, s1  }
0x8c: {  	s17 =	sshll.u32 s0, $0xA;
	s2 =	sadd.s32 s3, s2  }
0x8d: {  	s2 =	sadd.s32 s2, s17  }
0x8e: {  	[smem:$0x3FC4] =	sst s2  }
0x8f: {  	_ = 	snop  }
0x90: {  	s2 =	sld [smem:$0x3FC8]  }
0x91: {  	s18 =	sld [smem:$0x3FC7]  }
0x92: {  	s4 =	sld [smem:$0x3FD0];
	(tm) =	ssettm $0x1  }
0x93: {  	s5 =	sld [smem:$0x3FFB];
	_ =	sdelay $0x3  }
0x94: {  	_ =	strace s5  }
0x95: {  	s5 =	sld [smem:$0x3FFC];
	_ =	sdelay $0x3  }
0x96: {  	_ =	strace s5  }
0x97: {  	s5 =	sld [smem:$0x3FFD];
	_ =	sdelay $0x3  }
0x98: {  	_ =	strace s5  }
0x99: {  	_ =	strace $0x8FFFFFFF  }
0x9a: {  	s19 =	sld [smem:$0x3FDB];
	_ =	sdelay $0x1  }
0x9b: {  	s6 =	simm.s32 $_scs_section_size  }
0x9c: {  	s7 =	simm.s32 $_size__tile_overlayer_lowered;
	s8 =	simm.s32 $_tile_overlayer_lowered  }
0x9d: {  	s22 =	simm.s32 $0x1BFF;
	s21 =	sshll.u32 s8, $0x1;
	s5 =	sadd.s32 s6, s19  }
0x9e: {  	s9 =	simm.s32 $0x0;
	s20 =	sshll.u32 s7, $0x1;
	s7 =	sadd.s32 s21, s5  }
0x9f: {  	[timem:s9], [sflag:s22] =	dma.local [hbm:s7], s20  }
0xa0: {  	_ =	swait.ge [sflag:s22], s20  }
0xa1: {  	s6 =	ssub.s32 $0x0, s20;
	[sflag:s22] =	ssyncset.done $0x0  }
0xa2: {  	[sflag:s22] =	ssyncadd.s32 s6;
	_ =	sdelay $0x1  }
0xa3: {  	s23 =	simm.s32 $0x1B8B  }
0xa4: {  	_ =	swait.ge [sflag:s23], $0x1  }
0xa5: {  	[sflag:s23] =	ssyncset.done $0x0  }
0xa6: {  	s25 =	simm.s32 $0x1B8E;
	s24 =	sld [smem:$0x3FFE];
	[sflag:s23] =	ssyncadd.s32 $0xFFFFFFFF  }
0xa7: {  	s26 =	simm.s32 $execute0_lowered;
	[smem:$0x3FD2] =	sst s25  }
0xa8: {  	s7 =	sshll.u32 s26, $0x1;
	_ =	strace $0x80000049;
	[dreg:$0x1] =	wrdreg $0xFFFFFFFF  }
0xa9: {  	s28 =	simm.s32 $_size_execute0_lowered;
	s5 =	sadd.s32 s5, s7;
	[dreg:$0x0] =	wrdreg $0x0  }
0xaa: {  	s7 =	sshll.u32 s28, $0x1;
	[dreg:$0x2] =	wrdreg s5  }
0xab: {  	[dreg:$0x3] =	wrdreg s7  }
0xac: {  	[dreg:$0x4] =	wrdreg $0xC0  }
0xad: {  	_ =	task [dreg:s9], $0x5FFFF  }
0xae: {  	[dreg:$0x1] =	wrdreg $0xFFFFFFFF  }
0xaf: {  	[dreg:$0x0] =	wrdreg $0x60  }
0xb0: {  	[dreg:$0x2] =	wrdreg s4  }
0xb1: {  	[dreg:$0x3] =	wrdreg s2  }
0xb2: {  	[dreg:$0x4] =	wrdreg s18  }
0xb3: {  	[dreg:$0x5] =	wrdreg s24  }
0xb4: {  	[dreg:$0x6] =	wrdreg $0x9  }
0xb5: {  	_ =	task.clear_ibuf [dreg:s9], $0x7FFFF;
	_ =	strace $0x90000049  }
0xb6: {  	s29 =	simm.s32 $0x9;
	_ =	strace $0x8000004B  }
0xb7: {  	_ =	swait.ge [sflag:s29], $0x1  }
0xb8: {  	[sflag:s29] =	ssyncadd.s32 $0xFFFFFFFF  }
0xb9: {  	_ =	strace $0x9000004B  }
0xba: {  	_ =	sfence  }
0xbb: {  	s30 =	sld [smem:$0x0];
	_ =	sdelay $0x2  }
0xbc: {  	s31 =	sshll.u32 s1, $0xD;
	s1 =	sshrl.u32 s1, $0x2  }
0xbd: {  	s3 =	sand.u32 $0x4000, s31;
	s1 =	sadd.s32 s1, s30  }
0xbe: {  	s0 =	sor.u32 s3, s0;
	s1 =	sshll.u32 s1, $0x11  }
0xbf: {  	s0 =	sor.u32 s1, s0  }
0xc0: {  	s0 =	sadd.s32 $0x8F2B, s0  }
0xc1: {  	[sflag:s0] =	ssyncadd.remote.s32 $0x1  }
0xc2: {  	_ =	sfence.sel $0xFFFF  }
0xc3: {  	[dreg:$0x0] =	wrdreg $0xFFFFFFFF;
	(pc) =	sbr.abs _section_cstart, $3  }
0xc4: {  	[dreg:$0x1] =	wrdreg $0xFFFFFFFF  }
0xc5: {  	_ =	task.clear_ibuf [dreg:s9], $0x2FFFF;
	_ =	strace $0x9FFFFFFF  }
0xc6: {  	(tm) =	ssettm $0x7FFFFFFF  }
0xc7: {  	_ =	shalt  }
tec
execute0_lowered:
.L_overlay_start_1:
0x0: {  	(tag) =	ssettag $0x1  }
0x1: {  	s1 =	rddreg [dreg:$0x0]  }
0x2: {  	s2 =	rddreg [dreg:$0x1]  }
0x3: {  	s4 =	rddreg [dreg:$0x2]  }
0x4: {  	s0 =	rddreg [dreg:$0x3]  }
0x5: {  	s5 =	srdreg.scid;
	s3 =	stileid.u32;
	s14 =	simm.s32 $0x5  }
0x6: {  	s15 =	simm.s32 $0x800;
	s16 =	simm.s32 $0x1000;
	s17 =	simm.s32 $0x1080  }
0x7: {  	s18 =	simm.s32 $0x5080;
	s19 =	simm.s32 $0x1;
	s20 =	simm.s32 $0x9080  }
0x8: {  	s21 =	simm.s32 $0x2;
	s22 =	simm.s32 $0x4;
	s23 =	simm.s32 $0xD080  }
0x9: {  	s24 =	simm.s32 $0x3;
	s25 =	simm.s32 $0x0;
	s7 =	sand.u32 $0x1, s5  }
0xa: {  	s5 =	simm.s32 $0x0;
	s6 =	sshll.u32 s3, $0x15;
	s9 =	sadd.s32 $0xA00, s0  }
.Ltmp0:
0xb: {  	s8 =	sshll.u32 s7, $0x14;
	[smem:$0x7FF] =	sst s5;
	(pc) =	sbr.rel .LBB2_1-.Ltmp0, $4  }
0xc: {  	s10 =	ssub.s32 $0x2, s7;
	s7 =	sadd.s32 $0x800, s0;
	s6 =	sor.u32 s8, s6  }
0xd: {  	_ =	strace $0x8000004A;
	s11 =	sshrl.u32 s10, $0x1;
	s8 =	sshrl.u32 s6, $0x3  }
0xe: {  	s31 =	ssub.s32 s10, s11;
	s11 =	sor.u32 $0x8000, s6;
	s8 =	sadd.s32 s1, s8  }
0xf: {  	s12 =	sor.u32 $0xC000, s6;
	s13 =	smax.u32 s31, $0x1;
	s10 =	sadd.s32 $0x800, s8  }
.LBB2_14:
0x10: {  	s25 =	sadd.s32 $0x1, s25  }
0x11: {  	_ =	swait.ge [sflag:s24], $0x4000;
	p0 =	sne.s32 s25, s13  }
.Ltmp1:
0x12: {  	[sflag:s24] =	ssyncset.done $0x0;
	(pc) =	sbr.rel @!p0 .LBB2_15-.Ltmp1, $4  }
0x13: {  	[sflag:s24] =	ssyncadd.s32 $0xFFFFC000  }
0x14: {  	_ =	swait.ge [sflag:s22], $0x4000  }
0x15: {  	[sflag:s22] =	ssyncset.done $0x0  }
0x16: {  	[sflag:s22] =	ssyncadd.s32 $0xFFFFC000  }
.LBB2_1:
0x17: {  	[tilespmem:s5], [sflag:$0x5] =	stream.linear.gather [hbm4b:s2+s5], $0x800, $0x38;
	[tilespmem:$0x11080] =	vst v63  }
0x18: {  	_ =	swait.ge [sflag:s14], $0x800  }
0x19: {  	[sflag:s14] =	ssyncset.done $0x0  }
0x1a: {  	[sflag:s14] =	ssyncadd.s32 $0xFFFFF800  }
0x1b: {  	[tilespmem:s15], [sflag:$0x5] =	stream.linear.gather [hbm4b:s4+s5], $0x800, $0x38;
	[tilespmem:$0x11080] =	vst v63  }
0x1c: {  	_ =	swait.ge [sflag:s14], $0x800  }
0x1d: {  	[sflag:s14] =	ssyncset.done $0x0  }
0x1e: {  	[sflag:s14] =	ssyncadd.s32 $0xFFFFF800  }
0x1f: {  	[tilespmem:s16], [sflag:$0x5] =	stream.linear.gather [hbm4b:s7+s5], $0x80, $0x38;
	[tilespmem:$0x11080] =	vst v63  }
0x20: {  	_ =	swait.ge [sflag:s14], $0x80  }
0x21: {  	[sflag:s14] =	ssyncset.done $0x0  }
0x22: {  	[sflag:s14] =	ssyncadd.s32 $0xFFFFFF80  }
0x23: {  	s0 =	simm.s32 $0x0;
	s26 =	simm.s32 $0x40;
	v0 =	vld [tilespmem:$0x1000]  }
.LBB2_2:
0x24: {  	p0 =	sne.s32 s26, $0x1FC0;
	v1 =	vld [tilespmem:s0+$0x800];
	_ =	sdelay $0x2  }
.Ltmp2:
0x25: {  	(pc) =	sbr.rel @p0 .LBB2_2-.Ltmp2, $3  }
0x26: {  	_ = 	snop  }
0x27: {  	v1 =	vmul.f32 v1, v0;
	_ =	sdelay $0x1  }
0x28: {  	[tilespmem:s0+$0x800] =	vst v1;
	s0 =	sshra.s32 s26, $0x2;
	s26 =	sadd.s32 $0x40, s26  }
0x29: {  	v1 =	vld [tilespmem:s0+$0x800];
	_ =	sdelay $0x4  }
0x2a: {  	v1 =	vmul.f32 v1, v0;
	_ =	sdelay $0x1  }
0x2b: {  	s26 =	simm.s32 $0x0;
	[tilespmem:s0+$0x800] =	vst v1  }
0x2c: {  	[tilespmem:s17], [sflag:$0x1] =	stream.linear.gather [hbm4b:s8+s26], $0x4000, $0x38;
	[tilespmem:$0x11080] =	vst v63  }
0x2d: {  	_ = 	snop  }
0x2e: {  	v0 =	vsub.f32 $1.000000000e+00, v0;
	[tilespmem:s18], [sflag:$0x2] =	stream.linear.gather [hbm4b:s10+s26], $0x4000, $0x38;
	[tilespmem:$0x11080] =	vst v63  }
.LBB2_4:
0x2f: {  	_ =	swait.ge [sflag:s19], $0x4000  }
0x30: {  	p0 =	seq.s32 s26, $0x0;
	[sflag:s19] =	ssyncset.done $0x0  }
0x31: {  	s0 =	simm.s32 @!p0 $0x3;
	[sflag:s19] =	ssyncadd.s32 $0xFFFFC000  }
0x32: {  	_ =	swait.ge @!p0 [sflag:s0], $0x4000  }
0x33: {  	[sflag:s0] =	ssyncset.done @!p0 $0x0  }
0x34: {  	s30 =	simm.s32 $0x0;
	[sflag:s0] =	ssyncadd.s32 @!p0 $0xFFFFC000  }
0x35: {  	v2 =	vld [tilespmem:s30+$0x0];
	_ =	sdelay $0x5  }
0x36: {  	v1 =	vld [tilespmem:s30+$0x800]  }
0x37: {  	v4 =	vld [tilespmem:s30+$0x1080]  }
0x38: {  	v3 =	vld.idx.msk [tilespmem:v2+s17+$0x0], $0xffff;
	_ =	sdelay $0x4  }
0x39: {  	v4 =	vmul.f32 v4, v0;
	v5 =	vadd.s32 $0x800, v2;
	v3 =	vmul.f32 v3, v1;
	_ =	sdelay $0x1  }
0x3a: {  	v3 =	vadd.f32 v4, v3;
	_ =	sdelay $0x1  }
0x3b: {  	v4 =	vld [tilespmem:s30+$0x1880];
	[tilespmem:s30+$0x9080] =	vst v3  }
0x3c: {  	v3 =	vld.idx.msk [tilespmem:v5+s17+$0x0], $0xffff;
	_ =	sdelay $0x4  }
0x3d: {  	v5 =	vadd.s32 $0x1000, v2;
	v4 =	vmul.f32 v4, v0;
	v3 =	vmul.f32 v3, v1;
	_ =	sdelay $0x1  }
0x3e: {  	v3 =	vadd.f32 v4, v3;
	_ =	sdelay $0x1  }
0x3f: {  	v4 =	vld [tilespmem:s30+$0x2080];
	[tilespmem:s30+$0x9880] =	vst v3  }
0x40: {  	v3 =	vld.idx.msk [tilespmem:v5+s17+$0x0], $0xffff;
	_ =	sdelay $0x4  }
0x41: {  	v5 =	vadd.s32 $0x1800, v2;
	v4 =	vmul.f32 v4, v0;
	v3 =	vmul.f32 v3, v1;
	_ =	sdelay $0x1  }
0x42: {  	v3 =	vadd.f32 v4, v3;
	_ =	sdelay $0x1  }
0x43: {  	v4 =	vld [tilespmem:s30+$0x2880];
	[tilespmem:s30+$0xA080] =	vst v3  }
0x44: {  	v3 =	vld.idx.msk [tilespmem:v5+s17+$0x0], $0xffff;
	_ =	sdelay $0x4  }
0x45: {  	v5 =	vadd.s32 $0x2000, v2;
	v4 =	vmul.f32 v4, v0;
	v3 =	vmul.f32 v3, v1;
	_ =	sdelay $0x1  }
0x46: {  	v3 =	vadd.f32 v4, v3;
	_ =	sdelay $0x1  }
0x47: {  	v4 =	vld [tilespmem:s30+$0x3080];
	[tilespmem:s30+$0xA880] =	vst v3  }
0x48: {  	v3 =	vld.idx.msk [tilespmem:v5+s17+$0x0], $0xffff;
	_ =	sdelay $0x4  }
0x49: {  	v5 =	vadd.s32 $0x2800, v2;
	v4 =	vmul.f32 v4, v0;
	v3 =	vmul.f32 v3, v1;
	_ =	sdelay $0x1  }
0x4a: {  	v3 =	vadd.f32 v4, v3;
	_ =	sdelay $0x1  }
0x4b: {  	v4 =	vld [tilespmem:s30+$0x3880];
	[tilespmem:s30+$0xB080] =	vst v3  }
0x4c: {  	v3 =	vld.idx.msk [tilespmem:v5+s17+$0x0], $0xffff;
	_ =	sdelay $0x4  }
0x4d: {  	v5 =	vadd.s32 $0x3000, v2;
	v4 =	vmul.f32 v4, v0;
	v3 =	vmul.f32 v3, v1;
	_ =	sdelay $0x1  }
0x4e: {  	v3 =	vadd.f32 v4, v3;
	_ =	sdelay $0x1  }
0x4f: {  	v4 =	vld [tilespmem:s30+$0x4080];
	[tilespmem:s30+$0xB880] =	vst v3  }
0x50: {  	v3 =	vld.idx.msk [tilespmem:v5+s17+$0x0], $0xffff;
	_ =	sdelay $0x4  }
0x51: {  	v2 =	vadd.s32 $0x3800, v2;
	v4 =	vmul.f32 v4, v0;
	v3 =	vmul.f32 v3, v1;
	_ =	sdelay $0x1  }
0x52: {  	v3 =	vadd.f32 v4, v3;
	_ =	sdelay $0x1  }
0x53: {  	v4 =	vld [tilespmem:s30+$0x4880];
	[tilespmem:s30+$0xC080] =	vst v3  }
0x54: {  	s28 =	sshll.u32 s26, $0xF;
	v3 =	vld.idx.msk [tilespmem:v2+s17+$0x0], $0xffff  }
0x55: {  	s31 =	simm.s32 $0x80;
	s29 =	sor.u32 s6, s28;
	s0 =	simm.s32 $0x10  }
.LBB2_5:
0x56: {  	p1 =	sne.s32 s31, $0x1FC0;
	v2 =	vld [tilespmem:s0+$0x0];
	_ =	sdelay $0x2  }
0x57: {  	v1 =	vmul.f32 v3, v1;
	v4 =	vmul.f32 v4, v0;
	_ =	sdelay $0x1  }
0x58: {  	v3 =	vadd.f32 v4, v1;
	_ =	sdelay $0x1  }
0x59: {  	v1 =	vld [tilespmem:s0+$0x800];
	[tilespmem:s30+$0xC880] =	vst v3;
	s30 =	smov.u32 s0  }
0x5a: {  	v3 =	vld.idx.msk [tilespmem:v2+s17+$0x0], $0xffff  }
0x5b: {  	v4 =	vld [tilespmem:s30+$0x1080];
	_ =	sdelay $0x4  }
0x5c: {  	v5 =	vadd.s32 $0x800, v2;
	v3 =	vmul.f32 v3, v1;
	v4 =	vmul.f32 v4, v0;
	_ =	sdelay $0x1  }
0x5d: {  	v3 =	vadd.f32 v4, v3;
	_ =	sdelay $0x1  }
0x5e: {  	[tilespmem:s30+$0x9080] =	vst v3  }
0x5f: {  	v3 =	vld.idx.msk [tilespmem:v5+s17+$0x0], $0xffff  }
0x60: {  	v4 =	vld [tilespmem:s30+$0x1880];
	_ =	sdelay $0x4  }
0x61: {  	v5 =	vadd.s32 $0x1000, v2;
	v3 =	vmul.f32 v3, v1;
	v4 =	vmul.f32 v4, v0;
	_ =	sdelay $0x1  }
0x62: {  	v3 =	vadd.f32 v4, v3;
	_ =	sdelay $0x1  }
0x63: {  	[tilespmem:s30+$0x9880] =	vst v3  }
0x64: {  	v3 =	vld.idx.msk [tilespmem:v5+s17+$0x0], $0xffff  }
0x65: {  	v4 =	vld [tilespmem:s30+$0x2080];
	_ =	sdelay $0x4  }
0x66: {  	v5 =	vadd.s32 $0x1800, v2;
	v3 =	vmul.f32 v3, v1;
	v4 =	vmul.f32 v4, v0;
	_ =	sdelay $0x1  }
0x67: {  	v3 =	vadd.f32 v4, v3;
	_ =	sdelay $0x1  }
0x68: {  	[tilespmem:s30+$0xA080] =	vst v3  }
0x69: {  	v3 =	vld.idx.msk [tilespmem:v5+s17+$0x0], $0xffff  }
0x6a: {  	v4 =	vld [tilespmem:s30+$0x2880];
	_ =	sdelay $0x4  }
0x6b: {  	v5 =	vadd.s32 $0x2000, v2;
	v3 =	vmul.f32 v3, v1;
	v4 =	vmul.f32 v4, v0;
	_ =	sdelay $0x1  }
0x6c: {  	v3 =	vadd.f32 v4, v3;
	_ =	sdelay $0x1  }
0x6d: {  	[tilespmem:s30+$0xA880] =	vst v3  }
0x6e: {  	v3 =	vld.idx.msk [tilespmem:v5+s17+$0x0], $0xffff  }
0x6f: {  	v4 =	vld [tilespmem:s30+$0x3080];
	_ =	sdelay $0x4  }
0x70: {  	v5 =	vadd.s32 $0x2800, v2;
	v3 =	vmul.f32 v3, v1;
	v4 =	vmul.f32 v4, v0;
	_ =	sdelay $0x1  }
0x71: {  	v3 =	vadd.f32 v4, v3;
	_ =	sdelay $0x1  }
0x72: {  	[tilespmem:s30+$0xB080] =	vst v3  }
0x73: {  	v3 =	vld.idx.msk [tilespmem:v5+s17+$0x0], $0xffff  }
0x74: {  	v4 =	vld [tilespmem:s30+$0x3880];
	_ =	sdelay $0x4  }
0x75: {  	v5 =	vadd.s32 $0x3000, v2;
	v3 =	vmul.f32 v3, v1;
	v4 =	vmul.f32 v4, v0;
	_ =	sdelay $0x1  }
0x76: {  	v3 =	vadd.f32 v4, v3;
	_ =	sdelay $0x1  }
0x77: {  	[tilespmem:s30+$0xB880] =	vst v3  }
0x78: {  	v3 =	vld.idx.msk [tilespmem:v5+s17+$0x0], $0xffff  }
0x79: {  	v4 =	vld [tilespmem:s30+$0x4080];
	_ =	sdelay $0x4  }
0x7a: {  	v2 =	vadd.s32 $0x3800, v2;
	v3 =	vmul.f32 v3, v1;
	v4 =	vmul.f32 v4, v0;
	_ =	sdelay $0x1  }
0x7b: {  	v3 =	vadd.f32 v4, v3  }
.Ltmp3:
0x7c: {  	(pc) =	sbr.rel @p1 .LBB2_5-.Ltmp3, $4  }
0x7d: {  	[tilespmem:s30+$0xC080] =	vst v3  }
0x7e: {  	v3 =	vld.idx.msk [tilespmem:v2+s17+$0x0], $0xffff  }
0x7f: {  	v4 =	vld [tilespmem:s30+$0x4880]  }
0x80: {  	s0 =	sshra.s32 s31, $0x2;
	s31 =	sadd.s32 $0x40, s31  }
0x81: {  	v2 =	vld [tilespmem:s0+$0x0];
	_ =	sdelay $0x2  }
0x82: {  	v1 =	vmul.f32 v3, v1;
	v4 =	vmul.f32 v4, v0;
	_ =	sdelay $0x1  }
0x83: {  	v1 =	vadd.f32 v4, v1;
	_ =	sdelay $0x1  }
0x84: {  	v3 =	vld [tilespmem:s0+$0x800];
	[tilespmem:s30+$0xC880] =	vst v1  }
0x85: {  	v1 =	vld.idx.msk [tilespmem:v2+s17+$0x0], $0xffff  }
0x86: {  	v52 =	vld [tilespmem:s0+$0x1080];
	_ =	sdelay $0x4  }
0x87: {  	v5 =	vadd.s32 $0x800, v2;
	v4 =	vmul.f32 v52, v0;
	v1 =	vmul.f32 v1, v3;
	_ =	sdelay $0x1  }
0x88: {  	v1 =	vadd.f32 v4, v1;
	_ =	sdelay $0x1  }
0x89: {  	v53 =	vld [tilespmem:s0+$0x1880];
	[tilespmem:s0+$0x9080] =	vst v1  }
0x8a: {  	v1 =	vld.idx.msk [tilespmem:v5+s17+$0x0], $0xffff;
	_ =	sdelay $0x4  }
0x8b: {  	v54 =	vadd.s32 $0x1000, v2;
	v4 =	vmul.f32 v53, v0;
	v1 =	vmul.f32 v1, v3;
	_ =	sdelay $0x1  }
0x8c: {  	v1 =	vadd.f32 v4, v1;
	_ =	sdelay $0x1  }
0x8d: {  	v55 =	vld [tilespmem:s0+$0x2080];
	[tilespmem:s0+$0x9880] =	vst v1  }
0x8e: {  	v1 =	vld.idx.msk [tilespmem:v54+s17+$0x0], $0xffff;
	_ =	sdelay $0x4  }
0x8f: {  	v56 =	vadd.s32 $0x1800, v2;
	v4 =	vmul.f32 v55, v0;
	v1 =	vmul.f32 v1, v3;
	_ =	sdelay $0x1  }
0x90: {  	v1 =	vadd.f32 v4, v1;
	_ =	sdelay $0x1  }
0x91: {  	v57 =	vld [tilespmem:s0+$0x2880];
	[tilespmem:s0+$0xA080] =	vst v1  }
0x92: {  	v1 =	vld.idx.msk [tilespmem:v56+s17+$0x0], $0xffff;
	_ =	sdelay $0x4  }
0x93: {  	v58 =	vadd.s32 $0x2000, v2;
	v4 =	vmul.f32 v57, v0;
	v1 =	vmul.f32 v1, v3;
	_ =	sdelay $0x1  }
0x94: {  	v1 =	vadd.f32 v4, v1;
	_ =	sdelay $0x1  }
0x95: {  	v59 =	vld [tilespmem:s0+$0x3080];
	[tilespmem:s0+$0xA880] =	vst v1  }
0x96: {  	v1 =	vld.idx.msk [tilespmem:v58+s17+$0x0], $0xffff;
	_ =	sdelay $0x4  }
0x97: {  	v60 =	vadd.s32 $0x2800, v2;
	v4 =	vmul.f32 v59, v0;
	v1 =	vmul.f32 v1, v3;
	_ =	sdelay $0x1  }
0x98: {  	v1 =	vadd.f32 v4, v1;
	_ =	sdelay $0x1  }
0x99: {  	v61 =	vld [tilespmem:s0+$0x3880];
	[tilespmem:s0+$0xB080] =	vst v1  }
0x9a: {  	v1 =	vld.idx.msk [tilespmem:v60+s17+$0x0], $0xffff;
	_ =	sdelay $0x4  }
0x9b: {  	v62 =	vadd.s32 $0x3000, v2;
	v4 =	vmul.f32 v61, v0;
	v1 =	vmul.f32 v1, v3;
	_ =	sdelay $0x1  }
0x9c: {  	v1 =	vadd.f32 v4, v1;
	_ =	sdelay $0x1  }
0x9d: {  	v63 =	vld [tilespmem:s0+$0x4080];
	[tilespmem:s0+$0xB880] =	vst v1  }
0x9e: {  	v1 =	vld.idx.msk [tilespmem:v62+s17+$0x0], $0xffff;
	_ =	sdelay $0x4  }
0x9f: {  	v2 =	vadd.s32 $0x3800, v2;
	v4 =	vmul.f32 v63, v0;
	v1 =	vmul.f32 v1, v3;
	_ =	sdelay $0x1  }
0xa0: {  	v1 =	vadd.f32 v4, v1;
	_ =	sdelay $0x1  }
0xa1: {  	[tilespmem:s0+$0xC080] =	vst v1  }
0xa2: {  	v1 =	vld.idx.msk [tilespmem:v2+s17+$0x0], $0xffff  }
0xa3: {  	v2 =	vld [tilespmem:s0+$0x4880];
	_ =	sdelay $0x4  }
0xa4: {  	p1 =	sne.s32 s26, $0x1F;
	v2 =	vmul.f32 v2, v0;
	v1 =	vmul.f32 v1, v3  }
.Ltmp4:
0xa5: {  	_ = 	snop;
	(pc) =	sbr.rel @p1 .LBB2_8-.Ltmp4, $4  }
0xa6: {  	v1 =	vadd.f32 v2, v1  }
0xa7: {  	s29 =	sshrl.u32 s29, $0x3  }
0xa8: {  	s31 =	sadd.s32 s9, s29;
	[tilespmem:s0+$0xC880] =	vst v1  }
0xa9: {  	[hbm4b:s31+s5] =	stream.linear.scatter [tilespmem:s20], [sflag:$0x3], $0x4000, $0x38;
	[tilespmem:$0x11080] =	vst v63  }
.Ltmp5:
0xaa: {  	(pc) =	sbr.rel .LBB2_9-.Ltmp5, $4  }
0xab: {  	_ = 	snop  }
0xac: {  	_ =	swait.ge [sflag:s21], $0x4000  }
0xad: {  	[sflag:s21] =	ssyncset.done $0x0  }
0xae: {  	[sflag:s21] =	ssyncadd.s32 $0xFFFFC000  }
.LBB2_8:
0xaf: {  	s0 =	sadd.s32 s28, s11  }
0xb0: {  	s0 =	sshrl.u32 s0, $0x3  }
.Ltmp6:
0xb1: {  	s0 =	sadd.s32 s1, s0;
	(pc) =	sbr.rel @p0 .LBB2_10-.Ltmp6, $4  }
0xb2: {  	[tilespmem:s17], [sflag:$0x1] =	stream.linear.gather [hbm4b:s0+s5], $0x4000, $0x38;
	[tilespmem:$0x11080] =	vst v63  }
0xb3: {  	_ =	swait.ge [sflag:s21], $0x4000  }
0xb4: {  	[sflag:s21] =	ssyncset.done $0x0  }
0xb5: {  	[sflag:s21] =	ssyncadd.s32 $0xFFFFC000  }
.LBB2_9:
0xb6: {  	_ =	swait.ge [sflag:s22], $0x4000  }
0xb7: {  	[sflag:s22] =	ssyncset.done $0x0  }
0xb8: {  	[sflag:s22] =	ssyncadd.s32 $0xFFFFC000  }
.LBB2_10:
0xb9: {  	s30 =	simm.s32 $0x0  }
0xba: {  	v2 =	vld [tilespmem:s30+$0x0];
	_ =	sdelay $0x5  }
0xbb: {  	v1 =	vld [tilespmem:s30+$0x800]  }
0xbc: {  	v4 =	vld [tilespmem:s30+$0x5080]  }
0xbd: {  	v3 =	vld.idx.msk [tilespmem:v2+s18+$0x0], $0xffff;
	_ =	sdelay $0x4  }
0xbe: {  	v4 =	vmul.f32 v4, v0;
	v5 =	vadd.s32 $0x800, v2;
	v3 =	vmul.f32 v3, v1;
	_ =	sdelay $0x1  }
0xbf: {  	v3 =	vadd.f32 v4, v3;
	_ =	sdelay $0x1  }
0xc0: {  	v4 =	vld [tilespmem:s30+$0x5880];
	[tilespmem:s30+$0xD080] =	vst v3  }
0xc1: {  	v3 =	vld.idx.msk [tilespmem:v5+s18+$0x0], $0xffff;
	_ =	sdelay $0x4  }
0xc2: {  	v5 =	vadd.s32 $0x1000, v2;
	v4 =	vmul.f32 v4, v0;
	v3 =	vmul.f32 v3, v1;
	_ =	sdelay $0x1  }
0xc3: {  	v3 =	vadd.f32 v4, v3;
	_ =	sdelay $0x1  }
0xc4: {  	v4 =	vld [tilespmem:s30+$0x6080];
	[tilespmem:s30+$0xD880] =	vst v3  }
0xc5: {  	v3 =	vld.idx.msk [tilespmem:v5+s18+$0x0], $0xffff;
	_ =	sdelay $0x4  }
0xc6: {  	v5 =	vadd.s32 $0x1800, v2;
	v4 =	vmul.f32 v4, v0;
	v3 =	vmul.f32 v3, v1;
	_ =	sdelay $0x1  }
0xc7: {  	v3 =	vadd.f32 v4, v3;
	_ =	sdelay $0x1  }
0xc8: {  	v4 =	vld [tilespmem:s30+$0x6880];
	[tilespmem:s30+$0xE080] =	vst v3  }
0xc9: {  	v3 =	vld.idx.msk [tilespmem:v5+s18+$0x0], $0xffff;
	_ =	sdelay $0x4  }
0xca: {  	v5 =	vadd.s32 $0x2000, v2;
	v4 =	vmul.f32 v4, v0;
	v3 =	vmul.f32 v3, v1;
	_ =	sdelay $0x1  }
0xcb: {  	v3 =	vadd.f32 v4, v3;
	_ =	sdelay $0x1  }
0xcc: {  	v4 =	vld [tilespmem:s30+$0x7080];
	[tilespmem:s30+$0xE880] =	vst v3  }
0xcd: {  	v3 =	vld.idx.msk [tilespmem:v5+s18+$0x0], $0xffff;
	_ =	sdelay $0x4  }
0xce: {  	v5 =	vadd.s32 $0x2800, v2;
	v4 =	vmul.f32 v4, v0;
	v3 =	vmul.f32 v3, v1;
	_ =	sdelay $0x1  }
0xcf: {  	v3 =	vadd.f32 v4, v3;
	_ =	sdelay $0x1  }
0xd0: {  	v4 =	vld [tilespmem:s30+$0x7880];
	[tilespmem:s30+$0xF080] =	vst v3  }
0xd1: {  	v3 =	vld.idx.msk [tilespmem:v5+s18+$0x0], $0xffff;
	_ =	sdelay $0x4  }
0xd2: {  	v5 =	vadd.s32 $0x3000, v2;
	v4 =	vmul.f32 v4, v0;
	v3 =	vmul.f32 v3, v1;
	_ =	sdelay $0x1  }
0xd3: {  	v3 =	vadd.f32 v4, v3;
	_ =	sdelay $0x1  }
0xd4: {  	v4 =	vld [tilespmem:s30+$0x8080];
	[tilespmem:s30+$0xF880] =	vst v3  }
0xd5: {  	v3 =	vld.idx.msk [tilespmem:v5+s18+$0x0], $0xffff;
	_ =	sdelay $0x4  }
0xd6: {  	v2 =	vadd.s32 $0x3800, v2;
	v4 =	vmul.f32 v4, v0;
	v3 =	vmul.f32 v3, v1;
	_ =	sdelay $0x1  }
0xd7: {  	v3 =	vadd.f32 v4, v3;
	_ =	sdelay $0x1  }
0xd8: {  	v4 =	vld [tilespmem:s30+$0x8880];
	[tilespmem:s30+$0x10080] =	vst v3  }
0xd9: {  	v3 =	vld.idx.msk [tilespmem:v2+s18+$0x0], $0xffff  }
0xda: {  	s0 =	simm.s32 $0x10;
	s31 =	simm.s32 $0x80  }
.LBB2_11:
0xdb: {  	p0 =	sne.s32 s31, $0x1FC0;
	v2 =	vld [tilespmem:s0+$0x0];
	_ =	sdelay $0x2  }
0xdc: {  	v1 =	vmul.f32 v3, v1;
	v4 =	vmul.f32 v4, v0;
	_ =	sdelay $0x1  }
0xdd: {  	v3 =	vadd.f32 v4, v1;
	_ =	sdelay $0x1  }
0xde: {  	v1 =	vld [tilespmem:s0+$0x800];
	[tilespmem:s30+$0x10880] =	vst v3;
	s30 =	smov.u32 s0  }
0xdf: {  	v3 =	vld.idx.msk [tilespmem:v2+s18+$0x0], $0xffff  }
0xe0: {  	v4 =	vld [tilespmem:s30+$0x5080];
	_ =	sdelay $0x4  }
0xe1: {  	v5 =	vadd.s32 $0x800, v2;
	v3 =	vmul.f32 v3, v1;
	v4 =	vmul.f32 v4, v0;
	_ =	sdelay $0x1  }
0xe2: {  	v3 =	vadd.f32 v4, v3;
	_ =	sdelay $0x1  }
0xe3: {  	[tilespmem:s30+$0xD080] =	vst v3  }
0xe4: {  	v3 =	vld.idx.msk [tilespmem:v5+s18+$0x0], $0xffff  }
0xe5: {  	v4 =	vld [tilespmem:s30+$0x5880];
	_ =	sdelay $0x4  }
0xe6: {  	v5 =	vadd.s32 $0x1000, v2;
	v3 =	vmul.f32 v3, v1;
	v4 =	vmul.f32 v4, v0;
	_ =	sdelay $0x1  }
0xe7: {  	v3 =	vadd.f32 v4, v3;
	_ =	sdelay $0x1  }
0xe8: {  	[tilespmem:s30+$0xD880] =	vst v3  }
0xe9: {  	v3 =	vld.idx.msk [tilespmem:v5+s18+$0x0], $0xffff  }
0xea: {  	v4 =	vld [tilespmem:s30+$0x6080];
	_ =	sdelay $0x4  }
0xeb: {  	v5 =	vadd.s32 $0x1800, v2;
	v3 =	vmul.f32 v3, v1;
	v4 =	vmul.f32 v4, v0;
	_ =	sdelay $0x1  }
0xec: {  	v3 =	vadd.f32 v4, v3;
	_ =	sdelay $0x1  }
0xed: {  	[tilespmem:s30+$0xE080] =	vst v3  }
0xee: {  	v3 =	vld.idx.msk [tilespmem:v5+s18+$0x0], $0xffff  }
0xef: {  	v4 =	vld [tilespmem:s30+$0x6880];
	_ =	sdelay $0x4  }
0xf0: {  	v5 =	vadd.s32 $0x2000, v2;
	v3 =	vmul.f32 v3, v1;
	v4 =	vmul.f32 v4, v0;
	_ =	sdelay $0x1  }
0xf1: {  	v3 =	vadd.f32 v4, v3;
	_ =	sdelay $0x1  }
0xf2: {  	[tilespmem:s30+$0xE880] =	vst v3  }
0xf3: {  	v3 =	vld.idx.msk [tilespmem:v5+s18+$0x0], $0xffff  }
0xf4: {  	v4 =	vld [tilespmem:s30+$0x7080];
	_ =	sdelay $0x4  }
0xf5: {  	v5 =	vadd.s32 $0x2800, v2;
	v3 =	vmul.f32 v3, v1;
	v4 =	vmul.f32 v4, v0;
	_ =	sdelay $0x1  }
0xf6: {  	v3 =	vadd.f32 v4, v3;
	_ =	sdelay $0x1  }
0xf7: {  	[tilespmem:s30+$0xF080] =	vst v3  }
0xf8: {  	v3 =	vld.idx.msk [tilespmem:v5+s18+$0x0], $0xffff  }
0xf9: {  	v4 =	vld [tilespmem:s30+$0x7880];
	_ =	sdelay $0x4  }
0xfa: {  	v5 =	vadd.s32 $0x3000, v2;
	v3 =	vmul.f32 v3, v1;
	v4 =	vmul.f32 v4, v0;
	_ =	sdelay $0x1  }
0xfb: {  	v3 =	vadd.f32 v4, v3;
	_ =	sdelay $0x1  }
0xfc: {  	[tilespmem:s30+$0xF880] =	vst v3  }
0xfd: {  	v3 =	vld.idx.msk [tilespmem:v5+s18+$0x0], $0xffff  }
0xfe: {  	v4 =	vld [tilespmem:s30+$0x8080];
	_ =	sdelay $0x4  }
0xff: {  	v2 =	vadd.s32 $0x3800, v2;
	v3 =	vmul.f32 v3, v1;
	v4 =	vmul.f32 v4, v0;
	_ =	sdelay $0x1  }
0x100: {  	v3 =	vadd.f32 v4, v3  }
.Ltmp7:
0x101: {  	(pc) =	sbr.rel @p0 .LBB2_11-.Ltmp7, $4  }
0x102: {  	[tilespmem:s30+$0x10080] =	vst v3  }
0x103: {  	v3 =	vld.idx.msk [tilespmem:v2+s18+$0x0], $0xffff  }
0x104: {  	v4 =	vld [tilespmem:s30+$0x8880]  }
0x105: {  	s0 =	sshra.s32 s31, $0x2;
	s31 =	sadd.s32 $0x40, s31  }
0x106: {  	v2 =	vld [tilespmem:s0+$0x0];
	_ =	sdelay $0x2  }
0x107: {  	v1 =	vmul.f32 v3, v1;
	v4 =	vmul.f32 v4, v0;
	_ =	sdelay $0x1  }
0x108: {  	v1 =	vadd.f32 v4, v1;
	_ =	sdelay $0x1  }
0x109: {  	v3 =	vld [tilespmem:s0+$0x800];
	[tilespmem:s30+$0x10880] =	vst v1  }
0x10a: {  	v1 =	vld.idx.msk [tilespmem:v2+s18+$0x0], $0xffff  }
0x10b: {  	v52 =	vld [tilespmem:s0+$0x5080];
	_ =	sdelay $0x4  }
0x10c: {  	v5 =	vadd.s32 $0x800, v2;
	v4 =	vmul.f32 v52, v0;
	v1 =	vmul.f32 v1, v3;
	_ =	sdelay $0x1  }
0x10d: {  	v1 =	vadd.f32 v4, v1;
	_ =	sdelay $0x1  }
0x10e: {  	v53 =	vld [tilespmem:s0+$0x5880];
	[tilespmem:s0+$0xD080] =	vst v1  }
0x10f: {  	v1 =	vld.idx.msk [tilespmem:v5+s18+$0x0], $0xffff;
	_ =	sdelay $0x4  }
0x110: {  	v54 =	vadd.s32 $0x1000, v2;
	v4 =	vmul.f32 v53, v0;
	v1 =	vmul.f32 v1, v3;
	_ =	sdelay $0x1  }
0x111: {  	v1 =	vadd.f32 v4, v1;
	_ =	sdelay $0x1  }
0x112: {  	v55 =	vld [tilespmem:s0+$0x6080];
	[tilespmem:s0+$0xD880] =	vst v1  }
0x113: {  	v1 =	vld.idx.msk [tilespmem:v54+s18+$0x0], $0xffff;
	_ =	sdelay $0x4  }
0x114: {  	v56 =	vadd.s32 $0x1800, v2;
	v4 =	vmul.f32 v55, v0;
	v1 =	vmul.f32 v1, v3;
	_ =	sdelay $0x1  }
0x115: {  	v1 =	vadd.f32 v4, v1;
	_ =	sdelay $0x1  }
0x116: {  	v57 =	vld [tilespmem:s0+$0x6880];
	[tilespmem:s0+$0xE080] =	vst v1  }
0x117: {  	v1 =	vld.idx.msk [tilespmem:v56+s18+$0x0], $0xffff;
	_ =	sdelay $0x4  }
0x118: {  	v58 =	vadd.s32 $0x2000, v2;
	v4 =	vmul.f32 v57, v0;
	v1 =	vmul.f32 v1, v3;
	_ =	sdelay $0x1  }
0x119: {  	v1 =	vadd.f32 v4, v1;
	_ =	sdelay $0x1  }
0x11a: {  	v59 =	vld [tilespmem:s0+$0x7080];
	[tilespmem:s0+$0xE880] =	vst v1  }
0x11b: {  	v1 =	vld.idx.msk [tilespmem:v58+s18+$0x0], $0xffff;
	_ =	sdelay $0x4  }
0x11c: {  	v60 =	vadd.s32 $0x2800, v2;
	v4 =	vmul.f32 v59, v0;
	v1 =	vmul.f32 v1, v3;
	_ =	sdelay $0x1  }
0x11d: {  	v1 =	vadd.f32 v4, v1;
	_ =	sdelay $0x1  }
0x11e: {  	v61 =	vld [tilespmem:s0+$0x7880];
	[tilespmem:s0+$0xF080] =	vst v1  }
0x11f: {  	v1 =	vld.idx.msk [tilespmem:v60+s18+$0x0], $0xffff;
	_ =	sdelay $0x4  }
0x120: {  	v62 =	vadd.s32 $0x3000, v2;
	v4 =	vmul.f32 v61, v0;
	v1 =	vmul.f32 v1, v3;
	_ =	sdelay $0x1  }
0x121: {  	v1 =	vadd.f32 v4, v1;
	_ =	sdelay $0x1  }
0x122: {  	v63 =	vld [tilespmem:s0+$0x8080];
	[tilespmem:s0+$0xF880] =	vst v1  }
0x123: {  	v1 =	vld.idx.msk [tilespmem:v62+s18+$0x0], $0xffff;
	_ =	sdelay $0x4  }
0x124: {  	v2 =	vadd.s32 $0x3800, v2;
	v4 =	vmul.f32 v63, v0;
	v1 =	vmul.f32 v1, v3;
	_ =	sdelay $0x1  }
0x125: {  	v1 =	vadd.f32 v4, v1;
	_ =	sdelay $0x1  }
0x126: {  	[tilespmem:s0+$0x10080] =	vst v1  }
0x127: {  	v1 =	vld.idx.msk [tilespmem:v2+s18+$0x0], $0xffff  }
0x128: {  	v2 =	vld [tilespmem:s0+$0x8880];
	_ =	sdelay $0x4  }
0x129: {  	p0 =	seq.s32 s26, $0x1F;
	v2 =	vmul.f32 v2, v0;
	v1 =	vmul.f32 v1, v3  }
.Ltmp8:
0x12a: {  	_ = 	snop;
	(pc) =	sbr.rel @p0 .LBB2_14-.Ltmp8, $4  }
0x12b: {  	v1 =	vadd.f32 v2, v1  }
0x12c: {  	s29 =	sadd.s32 s29, s9  }
0x12d: {  	s31 =	sadd.s32 $0x800, s29;
	[tilespmem:s0+$0x10880] =	vst v1  }
0x12e: {  	[hbm4b:s31+s5] =	stream.linear.scatter [tilespmem:s23], [sflag:$0x4], $0x4000, $0x38;
	[tilespmem:$0x11080] =	vst v63  }
.Ltmp9:
0x12f: {  	(pc) =	sbr.rel .LBB2_4-.Ltmp9, $4  }
0x130: {  	s0 =	sadd.s32 s28, s12  }
0x131: {  	s0 =	sshrl.u32 s0, $0x3  }
0x132: {  	s26 =	sadd.s32 $0x1, s26;
	s0 =	sadd.s32 s1, s0  }
0x133: {  	[tilespmem:s18], [sflag:$0x2] =	stream.linear.gather [hbm4b:s0+s5], $0x4000, $0x38;
	[tilespmem:$0x11080] =	vst v63  }
.LBB2_15:
0x134: {  	_ =	sfence.sel $0x180000  }
0x135: {  	[bflag:$0x0] =	sbarrier.arrive $0xFFFF  }
0x136: {  	_ =	strace $0x9000004A  }
0x137: {  	[bflag:$0x2] =	sbarrier.arrive $0xFFFF  }
0x138: {  	p0 =	sne.s32 s3, $0x0;
	s0 =	rddreg [dreg:$0x4]  }
0x139: {  	s0 =	sadd.s32 @!p0 $0x100000, s0  }
0x13a: {  	[sflag:s0] =	ssyncadd.tile.s32 @!p0 $0x1;
	_ =	shalt  }
.Lfunc_end2:
_tile_overlayer_lowered:
.L_overlay_start_2:
0x13b: {  	(tag) =	ssettag $0x2  }
0x13c: {  	s0 =	rddreg [dreg:$0x0];
	s2 =	stileid.u32  }
0x13d: {  	s1 =	rddreg [dreg:$0x1];
	p0 =	sne.s32 s2, $0x0  }
0x13e: {  	s3 =	rddreg [dreg:$0x2];
	[bflag:$0x3] =	sbarrier.arrive $0xFFFF;
	s2 =	simm.s32 @!p0 $0x1C05  }
0x13f: {  	[timem:s3], [sflag:s2] =	dma.local @!p0 [hbm:s0], s1  }
0x140: {  	s0 =	simm.s32 @!p0 $0x5  }
0x141: {  	_ =	swait.ge @!p0 [sflag:s0], s1  }
0x142: {  	s1 =	ssub.s32 @!p0 $0x0, s1;
	[sflag:s0] =	ssyncset.done @!p0 $0x0  }
0x143: {  	[sflag:s0] =	ssyncadd.s32 @!p0 s1  }
0x144: {  	[bflag:$0x3] =	sbarrier.arrive $0xFFFF  }
0x145: {  	_ =	shalt  }

// kernel: sparse-core-data-format-call.cloned.1.call-start
scs
called_computation_lowered:
.L_overlay_start_0:
0x0: {  	s2 =	sld [smem:$0x3FD9]  }
0x1: {  	s3 =	sld [smem:$0x3FFE];
	_ =	sdelay $0x1  }
0x2: {  	s1 =	srdreg.scid  }
0x3: {  	s0 =	sand.u32 $0x1, s1  }
0x4: {  	s19 =	sshll.u32 s0, $0xA;
	s2 =	sadd.s32 s3, s2  }
0x5: {  	s2 =	sadd.s32 s2, s19  }
0x6: {  	[smem:$0x3FC4] =	sst s2  }
0x7: {  	_ = 	snop  }
0x8: {  	s2 =	sld [smem:$0x3FC9]  }
0x9: {  	s20 =	sld [smem:$0x3FD0];
	(tm) =	ssettm $0x1  }
0xa: {  	s4 =	sld [smem:$0x3FFB];
	_ =	sdelay $0x3  }
0xb: {  	_ =	strace s4  }
0xc: {  	s4 =	sld [smem:$0x3FFC];
	_ =	sdelay $0x3  }
0xd: {  	_ =	strace s4  }
0xe: {  	s4 =	sld [smem:$0x3FFD];
	_ =	sdelay $0x3  }
0xf: {  	_ =	strace s4  }
0x10: {  	_ =	strace $0x8FFFFFFF  }
0x11: {  	s21 =	sld [smem:$0x3FDB];
	_ =	sdelay $0x1  }
0x12: {  	s5 =	simm.s32 $_scs_section_size  }
0x13: {  	s6 =	simm.s32 $_size__tile_overlayer_lowered;
	s7 =	simm.s32 $_tile_overlayer_lowered  }
0x14: {  	s24 =	simm.s32 $0x1BFF;
	s23 =	sshll.u32 s7, $0x1;
	s4 =	sadd.s32 s5, s21  }
0x15: {  	s8 =	simm.s32 $0x0;
	s22 =	sshll.u32 s6, $0x1;
	s6 =	sadd.s32 s23, s4  }
0x16: {  	[timem:s8], [sflag:s24] =	dma.local [hbm:s6], s22  }
0x17: {  	_ =	swait.ge [sflag:s24], s22  }
0x18: {  	s5 =	ssub.s32 $0x0, s22;
	[sflag:s24] =	ssyncset.done $0x0  }
0x19: {  	[sflag:s24] =	ssyncadd.s32 s5;
	_ =	sdelay $0x1  }
0x1a: {  	s25 =	simm.s32 $0x1B8B  }
0x1b: {  	_ =	swait.ge [sflag:s25], $0x1  }
0x1c: {  	[sflag:s25] =	ssyncset.done $0x0  }
0x1d: {  	s26 =	simm.s32 $0x1B8E;
	[sflag:s25] =	ssyncadd.s32 $0xFFFFFFFF  }
0x1e: {  	s27 =	simm.s32 $execute0_lowered;
	[smem:$0x3FD2] =	sst s26  }
0x1f: {  	s5 =	sshll.u32 s27, $0x1;
	_ =	strace $0x80000046;
	[dreg:$0x1] =	wrdreg $0xFFFFFFFF  }
0x20: {  	s28 =	simm.s32 $_size_execute0_lowered;
	s4 =	sadd.s32 s4, s5;
	[dreg:$0x0] =	wrdreg $0x0  }
0x21: {  	s5 =	sshll.u32 s28, $0x1;
	[dreg:$0x2] =	wrdreg s4  }
0x22: {  	[dreg:$0x3] =	wrdreg s5  }
0x23: {  	[dreg:$0x4] =	wrdreg $0xC0  }
0x24: {  	_ =	task [dreg:s8], $0x5FFFF  }
0x25: {  	[dreg:$0x1] =	wrdreg $0xFFFFFFFF  }
0x26: {  	[dreg:$0x0] =	wrdreg $0x60  }
0x27: {  	[dreg:$0x2] =	wrdreg s2  }
0x28: {  	[dreg:$0x3] =	wrdreg s20  }
0x29: {  	[dreg:$0x4] =	wrdreg $0x9  }
0x2a: {  	_ =	task.clear_ibuf [dreg:s8], $0x5FFFF;
	_ =	strace $0x90000046  }
0x2b: {  	s29 =	simm.s32 $0x9;
	_ =	strace $0x80000048  }
0x2c: {  	_ =	swait.ge [sflag:s29], $0x1  }
0x2d: {  	[sflag:s29] =	ssyncadd.s32 $0xFFFFFFFF  }
0x2e: {  	_ =	strace $0x90000048  }
0x2f: {  	_ =	sfence  }
0x30: {  	s30 =	sld [smem:$0x0];
	_ =	sdelay $0x2  }
0x31: {  	s31 =	sshll.u32 s1, $0xD;
	s1 =	sshrl.u32 s1, $0x2  }
0x32: {  	s3 =	sand.u32 $0x4000, s31;
	s1 =	sadd.s32 s1, s30  }
0x33: {  	s0 =	sor.u32 s3, s0;
	s1 =	sshll.u32 s1, $0x11  }
0x34: {  	s0 =	sor.u32 s1, s0  }
0x35: {  	s0 =	sadd.s32 $0x8F2B, s0  }
0x36: {  	[sflag:s0] =	ssyncadd.remote.s32 $0x1  }
0x37: {  	_ =	sfence.sel $0xFFFF  }
0x38: {  	[dreg:$0x0] =	wrdreg $0xFFFFFFFF;
	(pc) =	sbr.abs _section_cstart, $3  }
0x39: {  	[dreg:$0x1] =	wrdreg $0xFFFFFFFF  }
0x3a: {  	_ =	task.clear_ibuf [dreg:s8], $0x2FFFF;
	_ =	strace $0x9FFFFFFF  }
0x3b: {  	(tm) =	ssettm $0x7FFFFFFF  }
tec
execute0_lowered:
.L_overlay_start_1:
0x0: {  	(tag) =	ssettag $0x1  }
0x1: {  	s2 =	rddreg [dreg:$0x0]  }
0x2: {  	s3 =	rddreg [dreg:$0x1]  }
0x3: {  	s0 =	rddreg [dreg:$0x2];
	s4 =	srdreg.scid  }
.Ltmp0:
0x4: {  	_ =	strace $0x80000047;
	s1 =	stileid.u32;
	(pc) =	sbr.rel .LBB1_1-.Ltmp0, $4  }
0x5: {  	s6 =	simm.s32 $0x2;
	p0 =	por $0x0, $0x0;
	s5 =	sshll.u32 s4, $0x4  }
0x6: {  	s9 =	simm.s32 $0x0;
	s4 =	simm.s32 $0x1;
	s5 =	sand.u32 $0x10, s5  }
0x7: {  	s7 =	simm.s32 $0x0;
	[sflag:s4] =	ssyncpa.u1 $0x0;
	s5 =	sor.u32 s1, s5  }
0x8: {  	[sflag:s6] =	ssyncpa.u1 $0x0;
	s6 =	simm.s32 $0x0;
	s8 =	smov.u32 s5  }
.LBB1_7:
0x9: {  	s11 =	sadd.s32 $0x20, s8  }
0xa: {  	p1 =	slt.u32 s7, $0x2;
	s7 =	sadd.s32 $0x1, s7;
	p2 =	sgt.s32 s11, $0x7FF  }
0xb: {  	s11 =	smov.u32 @p2 s5;
	p2 =	sne.s32 s7, $0x42  }
.Ltmp1:
0xc: {  	_ = 	snop;
	(pc) =	sbr.rel @!p2 .LBB1_8-.Ltmp1, $4  }
0xd: {  	s10 =	simm.s32 @!p1 $0x2  }
0xe: {  	_ =	swait.ge @!p1 [sflag:s10], $0x4000  }
0xf: {  	s9 =	smov.u32 s8;
	[sflag:s10] =	ssyncset.done @!p1 $0x0  }
0x10: {  	p0 =	por !p0, !p0;
	s8 =	smov.u32 s11;
	[sflag:s10] =	ssyncadd.s32 @!p1 $0xFFFFC000  }
.LBB1_1:
0x11: {  	p1 =	sgt.u32 s7, $0x3F  }
0x12: {  	s10 =	sxor.u32 @!p1 $0xFFFFFFFF, s7  }
0x13: {  	s11 =	sshll.u32 @!p1 s8, $0xB;
	s10 =	sshll.u32 @!p1 s10, $0xE  }
0x14: {  	s12 =	simm.s32 @!p1 $0x0;
	s11 =	sadd.s32 @!p1 s2, s11;
	s10 =	sand.u32 @!p1 $0x4000, s10  }
0x15: {  	[tilespmem:s10], [sflag:$0x1] =	stream.linear.gather @!p1 [hbm4b:s11+s12], $0x4000, $0x38;
	[tilespmem:$0x10000] =	vst v63  }
0x16: {  	p1 =	seq.s32 s7, $0x0  }
0x17: {  	p2 =	seq.s32 @!p1 s7, $0x41  }
0x18: {  	p1 =	por p1, p2  }
.Ltmp2:
0x19: {  	_ = 	snop;
	(pc) =	sbr.rel @p1 .LBB1_7-.Ltmp2, $1  }
0x1a: {  	_ =	sdelay $0x3  }
0x1b: {  	s10 =	simm.s32 $0x1;
	_ =	swait.ge [sflag:s4], $0x4000;
	s12 =	sshll.u32 s7, $0xE  }
0x1c: {  	s13 =	simm.s32 $0x0;
	s10 =	simm.s32 @!p0 $0x0;
	[sflag:s4] =	ssyncset.done $0x0  }
0x1d: {  	s12 =	sand.u32 $0x4000, s12;
	s11 =	sshll.u32 s10, $0xE;
	[sflag:s4] =	ssyncadd.s32 $0xFFFFC000  }
0x1e: {  	s12 =	sor.u32 $0x8000, s12;
	s10 =	sor.u32 $0x8040, s11;
	s11 =	sor.u32 $0x40, s11  }
.LBB1_3:
0x1f: {  	v0 =	vmov s11;
	_ =	sdelay $0x3  }
0x20: {  	s15 =	simm.s32 $0x0  }
0x21: {  	v6 =	vld.idx.msk [tilespmem:v0+s15+$0x30 ss:$0x1], $0xffff  }
0x22: {  	v7 =	vld.idx.msk [tilespmem:v0+s15+$0xFFFFFFC0 ss:$0x1], $0xffff  }
0x23: {  	v5 =	vld.idx.msk [tilespmem:v0+s15+$0xFFFFFFD0 ss:$0x1], $0xffff  }
0x24: {  	v4 =	vld.idx.msk [tilespmem:v0+s15+$0xFFFFFFE0 ss:$0x1], $0xffff  }
0x25: {  	v3 =	vld.idx.msk [tilespmem:v0+s15+$0xFFFFFFF0 ss:$0x1], $0xffff  }
0x26: {  	v1 =	vld.idx.msk [tilespmem:v0+s15+$0x0 ss:$0x1], $0xffff  }
0x27: {  	v2 =	vld.idx.msk [tilespmem:v0+s15+$0x10 ss:$0x1], $0xffff;
	[tilespmem:s10+$0x30] =	vst v6  }
0x28: {  	s14 =	simm.s32 $0x80;
	s16 =	simm.s32 $0x400;
	[tilespmem:s10+$0xFFFFFFC0] =	vst v7;
	v6 =	vld.idx.msk [tilespmem:v0+s15+$0x20 ss:$0x1], $0xffff;
	s15 =	smov.u32 s10  }
.LBB1_4:
0x29: {  	p1 =	sne.s32 s16, $0xE00;
	v7 =	vld.idx.msk [tilespmem:v0+s14+$0x30 ss:$0x1], $0xffff;
	[tilespmem:s15+$0xFFFFFFD0] =	vst v5  }
0x2a: {  	v8 =	vld.idx.msk [tilespmem:v0+s14+$0xFFFFFFC0 ss:$0x1], $0xffff;
	[tilespmem:s15+$0xFFFFFFE0] =	vst v4  }
0x2b: {  	v5 =	vld.idx.msk [tilespmem:v0+s14+$0xFFFFFFD0 ss:$0x1], $0xffff;
	[tilespmem:s15+$0xFFFFFFF0] =	vst v3  }
.Ltmp3:
0x2c: {  	v4 =	vld.idx.msk [tilespmem:v0+s14+$0xFFFFFFE0 ss:$0x1], $0xffff;
	[tilespmem:s15+$0x0] =	vst v1;
	(pc) =	sbr.rel @p1 .LBB1_4-.Ltmp3, $4  }
0x2d: {  	v3 =	vld.idx.msk [tilespmem:v0+s14+$0xFFFFFFF0 ss:$0x1], $0xffff;
	[tilespmem:s15+$0x10] =	vst v2  }
0x2e: {  	v1 =	vld.idx.msk [tilespmem:v0+s14+$0x0 ss:$0x1], $0xffff;
	[tilespmem:s15+$0x20] =	vst v6;
	s15 =	sadd.s32 $0x800, s15  }
0x2f: {  	v2 =	vld.idx.msk [tilespmem:v0+s14+$0x10 ss:$0x1], $0xffff;
	[tilespmem:s15+$0x30] =	vst v7  }
0x30: {  	[tilespmem:s15+$0xFFFFFFC0] =	vst v8;
	v6 =	vld.idx.msk [tilespmem:v0+s14+$0x20 ss:$0x1], $0xffff;
	s14 =	sshra.s32 s16, $0x2;
	s16 =	sadd.s32 $0x200, s16  }
0x31: {  	_ =	sdelay $0x2  }
0x32: {  	[tilespmem:s15+$0xFFFFFFD0] =	vst v5  }
0x33: {  	v56 =	vld.idx.msk [tilespmem:v0+s14+$0x30 ss:$0x1], $0xffff;
	[tilespmem:s15+$0xFFFFFFE0] =	vst v4  }
0x34: {  	v57 =	vld.idx.msk [tilespmem:v0+s14+$0xFFFFFFC0 ss:$0x1], $0xffff;
	[tilespmem:s15+$0xFFFFFFF0] =	vst v3  }
0x35: {  	v58 =	vld.idx.msk [tilespmem:v0+s14+$0xFFFFFFD0 ss:$0x1], $0xffff;
	[tilespmem:s15+$0x0] =	vst v1  }
0x36: {  	v59 =	vld.idx.msk [tilespmem:v0+s14+$0xFFFFFFE0 ss:$0x1], $0xffff;
	[tilespmem:s15+$0x10] =	vst v2  }
0x37: {  	v60 =	vld.idx.msk [tilespmem:v0+s14+$0xFFFFFFF0 ss:$0x1], $0xffff;
	s31 =	sadd.s32 $0x800, s15;
	[tilespmem:s15+$0x20] =	vst v6  }
0x38: {  	v61 =	vld.idx.msk [tilespmem:v0+s14+$0x0 ss:$0x1], $0xffff;
	[tilespmem:s31+$0x30] =	vst v56  }
0x39: {  	v62 =	vld.idx.msk [tilespmem:v0+s14+$0x10 ss:$0x1], $0xffff;
	s13 =	sadd.s32 $0x1, s13;
	[tilespmem:s31+$0xFFFFFFC0] =	vst v57  }
0x3a: {  	v63 =	vld.idx.msk [tilespmem:v0+s14+$0x20 ss:$0x1], $0xffff;
	p1 =	sne.s32 s13, $0x10;
	[tilespmem:s31+$0xFFFFFFD0] =	vst v58  }
.Ltmp4:
0x3b: {  	[tilespmem:s31+$0xFFFFFFE0] =	vst v59;
	(pc) =	sbr.rel @p1 .LBB1_3-.Ltmp4, $4  }
0x3c: {  	[tilespmem:s31+$0xFFFFFFF0] =	vst v60  }
0x3d: {  	[tilespmem:s31+$0x0] =	vst v61  }
0x3e: {  	[tilespmem:s31+$0x10] =	vst v62  }
0x3f: {  	s10 =	sadd.s32 $0x80, s10;
	s11 =	sadd.s32 $0x400, s11;
	[tilespmem:s31+$0x20] =	vst v63  }
.Ltmp5:
0x40: {  	(pc) =	sbr.rel .LBB1_7-.Ltmp5, $4  }
0x41: {  	_ = 	snop  }
0x42: {  	s9 =	sshll.u32 s9, $0xB  }
0x43: {  	s9 =	sadd.s32 s3, s9  }
0x44: {  	[hbm4b:s9+s6] =	stream.linear.scatter [tilespmem:s12], [sflag:$0x2], $0x4000, $0x38;
	[tilespmem:$0x10000] =	vst v63  }
.LBB1_8:
0x45: {  	_ =	sfence.sel $0x180000  }
0x46: {  	s2 =	simm.s32 $0x1;
	[bflag:$0x0] =	sbarrier.arrive $0xFFFF  }
0x47: {  	s31 =	simm.s32 $0x2;
	[sflag:s2] =	ssyncpa.u1 $0x1  }
0x48: {  	[sflag:s31] =	ssyncpa.u1 $0x1  }
0x49: {  	p0 =	sne.s32 s1, $0x0;
	_ =	strace $0x90000047  }
0x4a: {  	s0 =	sadd.s32 @!p0 $0x100000, s0;
	[bflag:$0x2] =	sbarrier.arrive $0xFFFF  }
0x4b: {  	[sflag:s0] =	ssyncadd.tile.s32 @!p0 $0x1;
	_ =	shalt  }
.Lfunc_end1:
_tile_overlayer_lowered:
.L_overlay_start_2:
0x4c: {  	(tag) =	ssettag $0x2  }
0x4d: {  	s0 =	rddreg [dreg:$0x0];
	s2 =	stileid.u32  }
0x4e: {  	s1 =	rddreg [dreg:$0x1];
	p0 =	sne.s32 s2, $0x0  }
0x4f: {  	s3 =	rddreg [dreg:$0x2];
	[bflag:$0x3] =	sbarrier.arrive $0xFFFF;
	s2 =	simm.s32 @!p0 $0x1C01  }
0x50: {  	[timem:s3], [sflag:s2] =	dma.local @!p0 [hbm:s0], s1  }
0x51: {  	s0 =	simm.s32 @!p0 $0x1  }
0x52: {  	_ =	swait.ge @!p0 [sflag:s0], s1  }
0x53: {  	s1 =	ssub.s32 @!p0 $0x0, s1;
	[sflag:s0] =	ssyncset.done @!p0 $0x0  }
0x54: {  	[sflag:s0] =	ssyncadd.s32 @!p0 s1  }
0x55: {  	[bflag:$0x3] =	sbarrier.arrive $0xFFFF  }
0x56: {  	_ =	shalt  }

</sc_bundles>
